<compile_context>
chip_gen: v7x
topology: tpu7x:2x2x1
jax: 0.10.2.dev20260603
libtpu: 0.0.44.dev20260713+nightly
codegen_flags: <defaults>
</compile_context>

<pallas_src>
import functools

import jax
import jax.numpy as jnp
from jax import lax
from jax.experimental import pallas as pl
from jax.experimental.pallas import tpu as pltpu
from jax.experimental.pallas import tpu_sc as plsc

_VOCAB = 1000
_D_EMBED = 128
_D_HIDDEN = 2048
_BATCH = 16384
_HALF = _BATCH // 2

_NC = 2
_NS = 16
_NW = _NC * _NS
_CHUNK = 128


_D_PACK = _D_EMBED // 2


@functools.cache
def _sc_gather(nrows, offset):
    b_per_w = nrows // _NW
    n_chunks = -(-b_per_w // _CHUNK)
    chunk = b_per_w // n_chunks
    assert n_chunks * chunk == b_per_w and chunk % 8 == 0

    def body(a_hbm, b_hbm, ea_hbm, eb_hbm, xa_hbm, xb_hbm,
             idx_a, idx_b, rows_a, rows_b, sem_ga, sem_gb, sem_sa, sem_sb):
        wid = lax.axis_index("s") * _NC + lax.axis_index("c")
        base = wid * b_per_w
        pltpu.sync_copy(a_hbm.at[pl.ds(offset + base, b_per_w)], idx_a)
        pltpu.sync_copy(b_hbm.at[pl.ds(offset + base, b_per_w)], idx_b)
        for j in range(n_chunks):
            off = base + j * chunk
            sl = pl.ds(j * chunk, chunk)
            ga = pltpu.async_copy(ea_hbm.at[idx_a.at[sl]], rows_a, sem_ga)
            gb = pltpu.async_copy(eb_hbm.at[idx_b.at[sl]], rows_b, sem_gb)
            ga.wait()
            sa = pltpu.async_copy(rows_a, xa_hbm.at[pl.ds(off, chunk)], sem_sa)
            gb.wait()
            sb = pltpu.async_copy(rows_b, xb_hbm.at[pl.ds(off, chunk)], sem_sb)
            sa.wait()
            sb.wait()

    return pl.kernel(
        body,
        out_type=(
            jax.ShapeDtypeStruct((nrows, _D_EMBED), jnp.float32),
            jax.ShapeDtypeStruct((nrows, _D_EMBED), jnp.float32),
        ),
        mesh=plsc.VectorSubcoreMesh(core_axis_name="c", subcore_axis_name="s"),
        scratch_types=(
            pltpu.VMEM((b_per_w,), jnp.int32),
            pltpu.VMEM((b_per_w,), jnp.int32),
            pltpu.VMEM((chunk, _D_EMBED), jnp.float32),
            pltpu.VMEM((chunk, _D_EMBED), jnp.float32),
            pltpu.SemaphoreType.DMA,
            pltpu.SemaphoreType.DMA,
            pltpu.SemaphoreType.DMA,
            pltpu.SemaphoreType.DMA,
        ),
    )


_BT = 1024
_DN_T = (((1,), (1,)), ((), ()))


def _mlp_body(xa_ref, xb_ref, wi_ref, wo_ref, out_ref):
    x = (xa_ref[...] + xb_ref[...]).astype(jnp.bfloat16)
    h = jnp.maximum(
        lax.dot_general(x, wi_ref[...], _DN_T,
                        preferred_element_type=jnp.float32), 0.0)
    out_ref[...] = lax.dot_general(wo_ref[...], h.astype(jnp.bfloat16), _DN_T,
                                   preferred_element_type=jnp.float32)


def _mlp_body_alias(xa_ref, xb_ref, wi_ref, wo_ref, prev_ref, out_ref):
    del prev_ref
    _mlp_body(xa_ref, xb_ref, wi_ref, wo_ref, out_ref)


def _mlp_call(xa, xb, wi, wo, out_prev, block_off):
    nb = xa.shape[0] // _BT
    in_specs = [
        pl.BlockSpec((_BT, _D_EMBED), lambda i: (i, 0)),
        pl.BlockSpec((_BT, _D_EMBED), lambda i: (i, 0)),
        pl.BlockSpec((_D_HIDDEN, _D_EMBED), lambda i: (0, 0)),
        pl.BlockSpec((_VOCAB, _D_HIDDEN), lambda i: (0, 0)),
    ]
    args = [xa, xb, wi, wo]
    io_alias = {}
    body = _mlp_body
    if out_prev is not None:
        in_specs.append(pl.BlockSpec(memory_space=pl.ANY))
        args.append(out_prev)
        io_alias = {4: 0}
        body = _mlp_body_alias
    return pl.pallas_call(
        body,
        grid=(nb,),
        in_specs=in_specs,
        out_specs=pl.BlockSpec((_VOCAB, _BT), lambda i: (0, i + block_off)),
        out_shape=jax.ShapeDtypeStruct((_VOCAB, _BATCH), jnp.float32),
        input_output_aliases=io_alias,
    )(*args)


_SPLIT = 4096


def kernel(a, b, E_a, E_b, W_in, W_out):
    a = a.astype(jnp.int32)
    b = b.astype(jnp.int32)
    wi = W_in.astype(jnp.bfloat16)
    wo = W_out.astype(jnp.bfloat16)
    rest = _BATCH - _SPLIT
    xa1, xb1 = _sc_gather(_SPLIT, 0)(a, b, E_a, E_b)
    xa2, xb2 = _sc_gather(rest, _SPLIT)(a, b, E_a, E_b)
    out1 = _mlp_call(xa1, xb1, wi, wo, None, 0)
    out2 = _mlp_call(xa2, xb2, wi, wo, out1, _SPLIT // _BT)
    return out2.T

# --- scband reference (transcript-rebuilt; emitter-appended) ---
"""Pipeline reference for scband-learned-embedding-mlp-40037685133591 (READ-ONLY COPY).

The authoritative reference and input builder live on the scoring server;
editing this copy changes nothing except your own understanding.
"""

import jax, jax.numpy as jnp
import numpy as np

VOCAB = 1000
D_EMBED = 128
D_HIDDEN = 2048
BATCH = 16384

def setup_inputs(seed: int = 0) -> dict:
    key = jax.random.key(seed)
    k1, k2, k3, k4, k5, k6 = jax.random.split(key, 6)
    a = jax.random.randint(k1, (BATCH,), 0, VOCAB, dtype=jnp.int64 if jax.config.jax_enable_x64 else jnp.int32)
    b = jax.random.randint(k2, (BATCH,), 0, VOCAB, dtype=jnp.int64 if jax.config.jax_enable_x64 else jnp.int32)
    # Parameters, matching torch defaults in spirit (normal embeddings, kaiming-ish linears)
    E_a = jax.random.normal(k3, (VOCAB, D_EMBED), dtype=jnp.float32)
    E_b = jax.random.normal(k4, (VOCAB, D_EMBED), dtype=jnp.float32)
    bound_in = 1.0 / np.sqrt(D_EMBED)
    W_in = jax.random.uniform(k5, (D_HIDDEN, D_EMBED), minval=-bound_in, maxval=bound_in, dtype=jnp.float32)
    bound_out = 1.0 / np.sqrt(D_HIDDEN)
    W_out = jax.random.uniform(k6, (VOCAB, D_HIDDEN), minval=-bound_out, maxval=bound_out, dtype=jnp.float32)
    return {"a": a, "b": b, "E_a": E_a, "E_b": E_b, "W_in": W_in, "W_out": W_out}

def reference(a, b, E_a, E_b, W_in, W_out):
    # x = embed_a(a) + embed_b(b)
    x = jnp.take(E_a, a, axis=0) + jnp.take(E_b, b, axis=0)  # [B, d_embed]
    # hidden = relu(W_in @ x)  (torch Linear: x @ W.T)
    hidden = jax.nn.relu(x @ W_in.T)  # [B, d_hidden]
    # logits = W_out @ hidden
    logits = hidden @ W_out.T  # [B, vocab]
    return logits

if __name__ == "__main__":
    import jax
    _d = setup_inputs()
    print(jax.jit(kernel)(*tuple(_d.values())))

</pallas_src>

<mosaic_0001>
#map = affine_map<(d0, d1) -> (0)>
#map1 = affine_map<(d0, d1) -> (0, 0)>
module attributes {stable_mosaic.version = 14 : i64} {
  func.func @body(%arg0: i32, %arg1: i32, %arg2: memref<16384xi32, #tpu.memory_space<hbm>>, %arg3: memref<16384xi32, #tpu.memory_space<hbm>>, %arg4: memref<1000x128xf32, #tpu.memory_space<hbm>>, %arg5: memref<1000x128xf32, #tpu.memory_space<hbm>>, %arg6: memref<12288x128xf32, #tpu.memory_space<hbm>>, %arg7: memref<12288x128xf32, #tpu.memory_space<hbm>>, %arg8: memref<384xi32, #tpu.memory_space<vmem>>, %arg9: memref<384xi32, #tpu.memory_space<vmem>>, %arg10: memref<128x128xf32, #tpu.memory_space<vmem>>, %arg11: memref<128x128xf32, #tpu.memory_space<vmem>>, %arg12: memref<!tpu.dma_semaphore, #tpu.memory_space<semaphore_mem>>, %arg13: memref<!tpu.dma_semaphore, #tpu.memory_space<semaphore_mem>>, %arg14: memref<!tpu.dma_semaphore, #tpu.memory_space<semaphore_mem>>, %arg15: memref<!tpu.dma_semaphore, #tpu.memory_space<semaphore_mem>>) attributes {dimension_semantics = [#tpu.dimension_semantics<core_parallel>, #tpu.dimension_semantics<subcore_parallel>], iteration_bounds = array<i64: 2, 16>, scalar_prefetch = 0 : i64, scratch_operands = 8 : i64, tpu.core_type = #tpu.core_type<sc_vector_subcore>, window_params = [{transform_indices = #map}, {transform_indices = #map}, {transform_indices = #map1}, {transform_indices = #map1}, {transform_indices = #map1}, {transform_indices = #map1}]} {
    %mul3A = arith.constant 2 : i32
    %mul3A_0 = arith.muli %arg1, %mul3A : i32
    %add3A = arith.addi %mul3A_0, %arg0 : i32
    %mul3A_1 = arith.constant 384 : i32
    %mul3A_2 = arith.muli %add3A, %mul3A_1 : i32
    %add3A_3 = arith.constant 4096 : i32
    %add3A_4 = arith.addi %add3A_3, %mul3A_2 : i32
    "tpu.region"() ({
      %run_scoped3A = tpu.sem_alloc : memref<!tpu.dma_semaphore, #tpu.memory_space<semaphore_mem>>
      %dma_start3A_119 = tpu.memref_slice %arg2[%add3A_4] : memref<16384xi32, #tpu.memory_space<hbm>> -> memref<384xi32, #tpu.memory_space<hbm>>
      %dma_start3A_120 = tpu.memref_slice %arg2[%add3A_4] : memref<16384xi32, #tpu.memory_space<hbm>> -> memref<384xi32, #tpu.memory_space<hbm>>
      tpu.enqueue_dma source(%dma_start3A_120 : memref<384xi32, #tpu.memory_space<hbm>>) target(%arg8 : memref<384xi32, #tpu.memory_space<vmem>>) target_semaphore(%run_scoped3A : memref<!tpu.dma_semaphore, #tpu.memory_space<semaphore_mem>>)
      %dma_wait3A_121 = tpu.memref_slice %arg2[%add3A_4] : memref<16384xi32, #tpu.memory_space<hbm>> -> memref<384xi32, #tpu.memory_space<hbm>>
      %dma_wait3A_122 = tpu.memref_slice %arg2[%add3A_4] : memref<16384xi32, #tpu.memory_space<hbm>> -> memref<384xi32, #tpu.memory_space<hbm>>
      tpu.wait_dma2 semaphore(%run_scoped3A : memref<!tpu.dma_semaphore, #tpu.memory_space<semaphore_mem>>) src(%dma_wait3A_122 : memref<384xi32, #tpu.memory_space<hbm>>) dst(%arg8 : memref<384xi32, #tpu.memory_space<vmem>>)
      tpu.yield
    }) : () -> ()
    %add3A_5 = arith.constant 4096 : i32
    %add3A_6 = arith.addi %add3A_5, %mul3A_2 : i32
    "tpu.region"() ({
      %run_scoped3A = tpu.sem_alloc : memref<!tpu.dma_semaphore, #tpu.memory_space<semaphore_mem>>
      %dma_start3A_119 = tpu.memref_slice %arg3[%add3A_6] : memref<16384xi32, #tpu.memory_space<hbm>> -> memref<384xi32, #tpu.memory_space<hbm>>
      %dma_start3A_120 = tpu.memref_slice %arg3[%add3A_6] : memref<16384xi32, #tpu.memory_space<hbm>> -> memref<384xi32, #tpu.memory_space<hbm>>
      tpu.enqueue_dma source(%dma_start3A_120 : memref<384xi32, #tpu.memory_space<hbm>>) target(%arg9 : memref<384xi32, #tpu.memory_space<vmem>>) target_semaphore(%run_scoped3A : memref<!tpu.dma_semaphore, #tpu.memory_space<semaphore_mem>>)
      %dma_wait3A_121 = tpu.memref_slice %arg3[%add3A_6] : memref<16384xi32, #tpu.memory_space<hbm>> -> memref<384xi32, #tpu.memory_space<hbm>>
      %dma_wait3A_122 = tpu.memref_slice %arg3[%add3A_6] : memref<16384xi32, #tpu.memory_space<hbm>> -> memref<384xi32, #tpu.memory_space<hbm>>
      tpu.wait_dma2 semaphore(%run_scoped3A : memref<!tpu.dma_semaphore, #tpu.memory_space<semaphore_mem>>) src(%dma_wait3A_122 : memref<384xi32, #tpu.memory_space<hbm>>) dst(%arg9 : memref<384xi32, #tpu.memory_space<vmem>>)
      tpu.yield
    }) : () -> ()
    %add3A_7 = arith.constant 0 : i32
    %add3A_8 = arith.addi %mul3A_2, %add3A_7 : i32
    %dma_start3A = arith.constant 0 : i32
    %dma_start3A_9 = tpu.memref_slice %arg8[%dma_start3A] : memref<384xi32, #tpu.memory_space<vmem>> -> memref<128xi32, #tpu.memory_space<vmem>>
    %dma_start3A_10 = arith.constant 0 : i32
    %dma_start3A_11 = arith.constant 0 : i32
    %dma_start3A_12 = tpu.memref_slice %arg4[%dma_start3A_10, %dma_start3A_11] : memref<1000x128xf32, #tpu.memory_space<hbm>> -> memref<1000x128xf32, #tpu.memory_space<hbm>>
    tpu.enqueue_indirect_dma source(%dma_start3A_12 : memref<1000x128xf32, #tpu.memory_space<hbm>>) target(%arg10 : memref<128x128xf32, #tpu.memory_space<vmem>>) offsets(%dma_start3A_9 : memref<128xi32, #tpu.memory_space<vmem>>) semaphore(%arg12 : memref<!tpu.dma_semaphore, #tpu.memory_space<semaphore_mem>>)
    %dma_start3A_13 = arith.constant 0 : i32
    %dma_start3A_14 = tpu.memref_slice %arg9[%dma_start3A_13] : memref<384xi32, #tpu.memory_space<vmem>> -> memref<128xi32, #tpu.memory_space<vmem>>
    %dma_start3A_15 = arith.constant 0 : i32
    %dma_start3A_16 = arith.constant 0 : i32
    %dma_start3A_17 = tpu.memref_slice %arg5[%dma_start3A_15, %dma_start3A_16] : memref<1000x128xf32, #tpu.memory_space<hbm>> -> memref<1000x128xf32, #tpu.memory_space<hbm>>
    tpu.enqueue_indirect_dma source(%dma_start3A_17 : memref<1000x128xf32, #tpu.memory_space<hbm>>) target(%arg11 : memref<128x128xf32, #tpu.memory_space<vmem>>) offsets(%dma_start3A_14 : memref<128xi32, #tpu.memory_space<vmem>>) semaphore(%arg13 : memref<!tpu.dma_semaphore, #tpu.memory_space<semaphore_mem>>)
    %dma_wait3A = arith.constant 0 : i32
    %dma_wait3A_18 = tpu.memref_slice %arg8[%dma_wait3A] : memref<384xi32, #tpu.memory_space<vmem>> -> memref<128xi32, #tpu.memory_space<vmem>>
    %dma_wait3A_19 = arith.constant 0 : i32
    %dma_wait3A_20 = arith.constant 0 : i32
    %dma_wait3A_21 = tpu.memref_slice %arg4[%dma_wait3A_19, %dma_wait3A_20] : memref<1000x128xf32, #tpu.memory_space<hbm>> -> memref<1000x128xf32, #tpu.memory_space<hbm>>
    tpu.wait_indirect_dma semaphore(%arg12 : memref<!tpu.dma_semaphore, #tpu.memory_space<semaphore_mem>>) src(%dma_wait3A_21 : memref<1000x128xf32, #tpu.memory_space<hbm>>) dst(%arg10 : memref<128x128xf32, #tpu.memory_space<vmem>>)
    %dma_start3A_22 = arith.constant 0 : i32
    %dma_start3A_23 = tpu.memref_slice %arg6[%add3A_8, %dma_start3A_22] : memref<12288x128xf32, #tpu.memory_space<hbm>> -> memref<128x128xf32, #tpu.memory_space<hbm>>
    %dma_start3A_24 = arith.constant 0 : i32
    %dma_start3A_25 = tpu.memref_slice %arg6[%add3A_8, %dma_start3A_24] : memref<12288x128xf32, #tpu.memory_space<hbm>> -> memref<128x128xf32, #tpu.memory_space<hbm>>
    tpu.enqueue_dma source(%arg10 : memref<128x128xf32, #tpu.memory_space<vmem>>) target(%dma_start3A_25 : memref<128x128xf32, #tpu.memory_space<hbm>>) target_semaphore(%arg14 : memref<!tpu.dma_semaphore, #tpu.memory_space<semaphore_mem>>)
    %dma_wait3A_26 = arith.constant 0 : i32
    %dma_wait3A_27 = tpu.memref_slice %arg9[%dma_wait3A_26] : memref<384xi32, #tpu.memory_space<vmem>> -> memref<128xi32, #tpu.memory_space<vmem>>
    %dma_wait3A_28 = arith.constant 0 : i32
    %dma_wait3A_29 = arith.constant 0 : i32
    %dma_wait3A_30 = tpu.memref_slice %arg5[%dma_wait3A_28, %dma_wait3A_29] : memref<1000x128xf32, #tpu.memory_space<hbm>> -> memref<1000x128xf32, #tpu.memory_space<hbm>>
    tpu.wait_indirect_dma semaphore(%arg13 : memref<!tpu.dma_semaphore, #tpu.memory_space<semaphore_mem>>) src(%dma_wait3A_30 : memref<1000x128xf32, #tpu.memory_space<hbm>>) dst(%arg11 : memref<128x128xf32, #tpu.memory_space<vmem>>)
    %dma_start3A_31 = arith.constant 0 : i32
    %dma_start3A_32 = tpu.memref_slice %arg7[%add3A_8, %dma_start3A_31] : memref<12288x128xf32, #tpu.memory_space<hbm>> -> memref<128x128xf32, #tpu.memory_space<hbm>>
    %dma_start3A_33 = arith.constant 0 : i32
    %dma_start3A_34 = tpu.memref_slice %arg7[%add3A_8, %dma_start3A_33] : memref<12288x128xf32, #tpu.memory_space<hbm>> -> memref<128x128xf32, #tpu.memory_space<hbm>>
    tpu.enqueue_dma source(%arg11 : memref<128x128xf32, #tpu.memory_space<vmem>>) target(%dma_start3A_34 : memref<128x128xf32, #tpu.memory_space<hbm>>) target_semaphore(%arg15 : memref<!tpu.dma_semaphore, #tpu.memory_space<semaphore_mem>>)
    %dma_wait3A_35 = arith.constant 0 : i32
    %dma_wait3A_36 = tpu.memref_slice %arg6[%add3A_8, %dma_wait3A_35] : memref<12288x128xf32, #tpu.memory_space<hbm>> -> memref<128x128xf32, #tpu.memory_space<hbm>>
    %dma_wait3A_37 = arith.constant 0 : i32
    %dma_wait3A_38 = tpu.memref_slice %arg6[%add3A_8, %dma_wait3A_37] : memref<12288x128xf32, #tpu.memory_space<hbm>> -> memref<128x128xf32, #tpu.memory_space<hbm>>
    tpu.wait_dma2 semaphore(%arg14 : memref<!tpu.dma_semaphore, #tpu.memory_space<semaphore_mem>>) src(%arg10 : memref<128x128xf32, #tpu.memory_space<vmem>>) dst(%dma_wait3A_38 : memref<128x128xf32, #tpu.memory_space<hbm>>)
    %dma_wait3A_39 = arith.constant 0 : i32
    %dma_wait3A_40 = tpu.memref_slice %arg7[%add3A_8, %dma_wait3A_39] : memref<12288x128xf32, #tpu.memory_space<hbm>> -> memref<128x128xf32, #tpu.memory_space<hbm>>
    %dma_wait3A_41 = arith.constant 0 : i32
    %dma_wait3A_42 = tpu.memref_slice %arg7[%add3A_8, %dma_wait3A_41] : memref<12288x128xf32, #tpu.memory_space<hbm>> -> memref<128x128xf32, #tpu.memory_space<hbm>>
    tpu.wait_dma2 semaphore(%arg15 : memref<!tpu.dma_semaphore, #tpu.memory_space<semaphore_mem>>) src(%arg11 : memref<128x128xf32, #tpu.memory_space<vmem>>) dst(%dma_wait3A_42 : memref<128x128xf32, #tpu.memory_space<hbm>>)
    %add3A_43 = arith.constant 128 : i32
    %add3A_44 = arith.addi %mul3A_2, %add3A_43 : i32
    %dma_start3A_45 = arith.constant 128 : i32
    %dma_start3A_46 = tpu.memref_slice %arg8[%dma_start3A_45] : memref<384xi32, #tpu.memory_space<vmem>> -> memref<128xi32, #tpu.memory_space<vmem>>
    %dma_start3A_47 = arith.constant 0 : i32
    %dma_start3A_48 = arith.constant 0 : i32
    %dma_start3A_49 = tpu.memref_slice %arg4[%dma_start3A_47, %dma_start3A_48] : memref<1000x128xf32, #tpu.memory_space<hbm>> -> memref<1000x128xf32, #tpu.memory_space<hbm>>
    tpu.enqueue_indirect_dma source(%dma_start3A_49 : memref<1000x128xf32, #tpu.memory_space<hbm>>) target(%arg10 : memref<128x128xf32, #tpu.memory_space<vmem>>) offsets(%dma_start3A_46 : memref<128xi32, #tpu.memory_space<vmem>>) semaphore(%arg12 : memref<!tpu.dma_semaphore, #tpu.memory_space<semaphore_mem>>)
    %dma_start3A_50 = arith.constant 128 : i32
    %dma_start3A_51 = tpu.memref_slice %arg9[%dma_start3A_50] : memref<384xi32, #tpu.memory_space<vmem>> -> memref<128xi32, #tpu.memory_space<vmem>>
    %dma_start3A_52 = arith.constant 0 : i32
    %dma_start3A_53 = arith.constant 0 : i32
    %dma_start3A_54 = tpu.memref_slice %arg5[%dma_start3A_52, %dma_start3A_53] : memref<1000x128xf32, #tpu.memory_space<hbm>> -> memref<1000x128xf32, #tpu.memory_space<hbm>>
    tpu.enqueue_indirect_dma source(%dma_start3A_54 : memref<1000x128xf32, #tpu.memory_space<hbm>>) target(%arg11 : memref<128x128xf32, #tpu.memory_space<vmem>>) offsets(%dma_start3A_51 : memref<128xi32, #tpu.memory_space<vmem>>) semaphore(%arg13 : memref<!tpu.dma_semaphore, #tpu.memory_space<semaphore_mem>>)
    %dma_wait3A_55 = arith.constant 128 : i32
    %dma_wait3A_56 = tpu.memref_slice %arg8[%dma_wait3A_55] : memref<384xi32, #tpu.memory_space<vmem>> -> memref<128xi32, #tpu.memory_space<vmem>>
    %dma_wait3A_57 = arith.constant 0 : i32
    %dma_wait3A_58 = arith.constant 0 : i32
    %dma_wait3A_59 = tpu.memref_slice %arg4[%dma_wait3A_57, %dma_wait3A_58] : memref<1000x128xf32, #tpu.memory_space<hbm>> -> memref<1000x128xf32, #tpu.memory_space<hbm>>
    tpu.wait_indirect_dma semaphore(%arg12 : memref<!tpu.dma_semaphore, #tpu.memory_space<semaphore_mem>>) src(%dma_wait3A_59 : memref<1000x128xf32, #tpu.memory_space<hbm>>) dst(%arg10 : memref<128x128xf32, #tpu.memory_space<vmem>>)
    %dma_start3A_60 = arith.constant 0 : i32
    %dma_start3A_61 = tpu.memref_slice %arg6[%add3A_44, %dma_start3A_60] : memref<12288x128xf32, #tpu.memory_space<hbm>> -> memref<128x128xf32, #tpu.memory_space<hbm>>
    %dma_start3A_62 = arith.constant 0 : i32
    %dma_start3A_63 = tpu.memref_slice %arg6[%add3A_44, %dma_start3A_62] : memref<12288x128xf32, #tpu.memory_space<hbm>> -> memref<128x128xf32, #tpu.memory_space<hbm>>
    tpu.enqueue_dma source(%arg10 : memref<128x128xf32, #tpu.memory_space<vmem>>) target(%dma_start3A_63 : memref<128x128xf32, #tpu.memory_space<hbm>>) target_semaphore(%arg14 : memref<!tpu.dma_semaphore, #tpu.memory_space<semaphore_mem>>)
    %dma_wait3A_64 = arith.constant 128 : i32
    %dma_wait3A_65 = tpu.memref_slice %arg9[%dma_wait3A_64] : memref<384xi32, #tpu.memory_space<vmem>> -> memref<128xi32, #tpu.memory_space<vmem>>
    %dma_wait3A_66 = arith.constant 0 : i32
    %dma_wait3A_67 = arith.constant 0 : i32
    %dma_wait3A_68 = tpu.memref_slice %arg5[%dma_wait3A_66, %dma_wait3A_67] : memref<1000x128xf32, #tpu.memory_space<hbm>> -> memref<1000x128xf32, #tpu.memory_space<hbm>>
    tpu.wait_indirect_dma semaphore(%arg13 : memref<!tpu.dma_semaphore, #tpu.memory_space<semaphore_mem>>) src(%dma_wait3A_68 : memref<1000x128xf32, #tpu.memory_space<hbm>>) dst(%arg11 : memref<128x128xf32, #tpu.memory_space<vmem>>)
    %dma_start3A_69 = arith.constant 0 : i32
    %dma_start3A_70 = tpu.memref_slice %arg7[%add3A_44, %dma_start3A_69] : memref<12288x128xf32, #tpu.memory_space<hbm>> -> memref<128x128xf32, #tpu.memory_space<hbm>>
    %dma_start3A_71 = arith.constant 0 : i32
    %dma_start3A_72 = tpu.memref_slice %arg7[%add3A_44, %dma_start3A_71] : memref<12288x128xf32, #tpu.memory_space<hbm>> -> memref<128x128xf32, #tpu.memory_space<hbm>>
    tpu.enqueue_dma source(%arg11 : memref<128x128xf32, #tpu.memory_space<vmem>>) target(%dma_start3A_72 : memref<128x128xf32, #tpu.memory_space<hbm>>) target_semaphore(%arg15 : memref<!tpu.dma_semaphore, #tpu.memory_space<semaphore_mem>>)
    %dma_wait3A_73 = arith.constant 0 : i32
    %dma_wait3A_74 = tpu.memref_slice %arg6[%add3A_44, %dma_wait3A_73] : memref<12288x128xf32, #tpu.memory_space<hbm>> -> memref<128x128xf32, #tpu.memory_space<hbm>>
    %dma_wait3A_75 = arith.constant 0 : i32
    %dma_wait3A_76 = tpu.memref_slice %arg6[%add3A_44, %dma_wait3A_75] : memref<12288x128xf32, #tpu.memory_space<hbm>> -> memref<128x128xf32, #tpu.memory_space<hbm>>
    tpu.wait_dma2 semaphore(%arg14 : memref<!tpu.dma_semaphore, #tpu.memory_space<semaphore_mem>>) src(%arg10 : memref<128x128xf32, #tpu.memory_space<vmem>>) dst(%dma_wait3A_76 : memref<128x128xf32, #tpu.memory_space<hbm>>)
    %dma_wait3A_77 = arith.constant 0 : i32
    %dma_wait3A_78 = tpu.memref_slice %arg7[%add3A_44, %dma_wait3A_77] : memref<12288x128xf32, #tpu.memory_space<hbm>> -> memref<128x128xf32, #tpu.memory_space<hbm>>
    %dma_wait3A_79 = arith.constant 0 : i32
    %dma_wait3A_80 = tpu.memref_slice %arg7[%add3A_44, %dma_wait3A_79] : memref<12288x128xf32, #tpu.memory_space<hbm>> -> memref<128x128xf32, #tpu.memory_space<hbm>>
    tpu.wait_dma2 semaphore(%arg15 : memref<!tpu.dma_semaphore, #tpu.memory_space<semaphore_mem>>) src(%arg11 : memref<128x128xf32, #tpu.memory_space<vmem>>) dst(%dma_wait3A_80 : memref<128x128xf32, #tpu.memory_space<hbm>>)
    %add3A_81 = arith.constant 256 : i32
    %add3A_82 = arith.addi %mul3A_2, %add3A_81 : i32
    %dma_start3A_83 = arith.constant 256 : i32
    %dma_start3A_84 = tpu.memref_slice %arg8[%dma_start3A_83] : memref<384xi32, #tpu.memory_space<vmem>> -> memref<128xi32, #tpu.memory_space<vmem>>
    %dma_start3A_85 = arith.constant 0 : i32
    %dma_start3A_86 = arith.constant 0 : i32
    %dma_start3A_87 = tpu.memref_slice %arg4[%dma_start3A_85, %dma_start3A_86] : memref<1000x128xf32, #tpu.memory_space<hbm>> -> memref<1000x128xf32, #tpu.memory_space<hbm>>
    tpu.enqueue_indirect_dma source(%dma_start3A_87 : memref<1000x128xf32, #tpu.memory_space<hbm>>) target(%arg10 : memref<128x128xf32, #tpu.memory_space<vmem>>) offsets(%dma_start3A_84 : memref<128xi32, #tpu.memory_space<vmem>>) semaphore(%arg12 : memref<!tpu.dma_semaphore, #tpu.memory_space<semaphore_mem>>)
    %dma_start3A_88 = arith.constant 256 : i32
    %dma_start3A_89 = tpu.memref_slice %arg9[%dma_start3A_88] : memref<384xi32, #tpu.memory_space<vmem>> -> memref<128xi32, #tpu.memory_space<vmem>>
    %dma_start3A_90 = arith.constant 0 : i32
    %dma_start3A_91 = arith.constant 0 : i32
    %dma_start3A_92 = tpu.memref_slice %arg5[%dma_start3A_90, %dma_start3A_91] : memref<1000x128xf32, #tpu.memory_space<hbm>> -> memref<1000x128xf32, #tpu.memory_space<hbm>>
    tpu.enqueue_indirect_dma source(%dma_start3A_92 : memref<1000x128xf32, #tpu.memory_space<hbm>>) target(%arg11 : memref<128x128xf32, #tpu.memory_space<vmem>>) offsets(%dma_start3A_89 : memref<128xi32, #tpu.memory_space<vmem>>) semaphore(%arg13 : memref<!tpu.dma_semaphore, #tpu.memory_space<semaphore_mem>>)
    %dma_wait3A_93 = arith.constant 256 : i32
    %dma_wait3A_94 = tpu.memref_slice %arg8[%dma_wait3A_93] : memref<384xi32, #tpu.memory_space<vmem>> -> memref<128xi32, #tpu.memory_space<vmem>>
    %dma_wait3A_95 = arith.constant 0 : i32
    %dma_wait3A_96 = arith.constant 0 : i32
    %dma_wait3A_97 = tpu.memref_slice %arg4[%dma_wait3A_95, %dma_wait3A_96] : memref<1000x128xf32, #tpu.memory_space<hbm>> -> memref<1000x128xf32, #tpu.memory_space<hbm>>
    tpu.wait_indirect_dma semaphore(%arg12 : memref<!tpu.dma_semaphore, #tpu.memory_space<semaphore_mem>>) src(%dma_wait3A_97 : memref<1000x128xf32, #tpu.memory_space<hbm>>) dst(%arg10 : memref<128x128xf32, #tpu.memory_space<vmem>>)
    %dma_start3A_98 = arith.constant 0 : i32
    %dma_start3A_99 = tpu.memref_slice %arg6[%add3A_82, %dma_start3A_98] : memref<12288x128xf32, #tpu.memory_space<hbm>> -> memref<128x128xf32, #tpu.memory_space<hbm>>
    %dma_start3A_100 = arith.constant 0 : i32
    %dma_start3A_101 = tpu.memref_slice %arg6[%add3A_82, %dma_start3A_100] : memref<12288x128xf32, #tpu.memory_space<hbm>> -> memref<128x128xf32, #tpu.memory_space<hbm>>
    tpu.enqueue_dma source(%arg10 : memref<128x128xf32, #tpu.memory_space<vmem>>) target(%dma_start3A_101 : memref<128x128xf32, #tpu.memory_space<hbm>>) target_semaphore(%arg14 : memref<!tpu.dma_semaphore, #tpu.memory_space<semaphore_mem>>)
    %dma_wait3A_102 = arith.constant 256 : i32
    %dma_wait3A_103 = tpu.memref_slice %arg9[%dma_wait3A_102] : memref<384xi32, #tpu.memory_space<vmem>> -> memref<128xi32, #tpu.memory_space<vmem>>
    %dma_wait3A_104 = arith.constant 0 : i32
    %dma_wait3A_105 = arith.constant 0 : i32
    %dma_wait3A_106 = tpu.memref_slice %arg5[%dma_wait3A_104, %dma_wait3A_105] : memref<1000x128xf32, #tpu.memory_space<hbm>> -> memref<1000x128xf32, #tpu.memory_space<hbm>>
    tpu.wait_indirect_dma semaphore(%arg13 : memref<!tpu.dma_semaphore, #tpu.memory_space<semaphore_mem>>) src(%dma_wait3A_106 : memref<1000x128xf32, #tpu.memory_space<hbm>>) dst(%arg11 : memref<128x128xf32, #tpu.memory_space<vmem>>)
    %dma_start3A_107 = arith.constant 0 : i32
    %dma_start3A_108 = tpu.memref_slice %arg7[%add3A_82, %dma_start3A_107] : memref<12288x128xf32, #tpu.memory_space<hbm>> -> memref<128x128xf32, #tpu.memory_space<hbm>>
    %dma_start3A_109 = arith.constant 0 : i32
    %dma_start3A_110 = tpu.memref_slice %arg7[%add3A_82, %dma_start3A_109] : memref<12288x128xf32, #tpu.memory_space<hbm>> -> memref<128x128xf32, #tpu.memory_space<hbm>>
    tpu.enqueue_dma source(%arg11 : memref<128x128xf32, #tpu.memory_space<vmem>>) target(%dma_start3A_110 : memref<128x128xf32, #tpu.memory_space<hbm>>) target_semaphore(%arg15 : memref<!tpu.dma_semaphore, #tpu.memory_space<semaphore_mem>>)
    %dma_wait3A_111 = arith.constant 0 : i32
    %dma_wait3A_112 = tpu.memref_slice %arg6[%add3A_82, %dma_wait3A_111] : memref<12288x128xf32, #tpu.memory_space<hbm>> -> memref<128x128xf32, #tpu.memory_space<hbm>>
    %dma_wait3A_113 = arith.constant 0 : i32
    %dma_wait3A_114 = tpu.memref_slice %arg6[%add3A_82, %dma_wait3A_113] : memref<12288x128xf32, #tpu.memory_space<hbm>> -> memref<128x128xf32, #tpu.memory_space<hbm>>
    tpu.wait_dma2 semaphore(%arg14 : memref<!tpu.dma_semaphore, #tpu.memory_space<semaphore_mem>>) src(%arg10 : memref<128x128xf32, #tpu.memory_space<vmem>>) dst(%dma_wait3A_114 : memref<128x128xf32, #tpu.memory_space<hbm>>)
    %dma_wait3A_115 = arith.constant 0 : i32
    %dma_wait3A_116 = tpu.memref_slice %arg7[%add3A_82, %dma_wait3A_115] : memref<12288x128xf32, #tpu.memory_space<hbm>> -> memref<128x128xf32, #tpu.memory_space<hbm>>
    %dma_wait3A_117 = arith.constant 0 : i32
    %dma_wait3A_118 = tpu.memref_slice %arg7[%add3A_82, %dma_wait3A_117] : memref<12288x128xf32, #tpu.memory_space<hbm>> -> memref<128x128xf32, #tpu.memory_space<hbm>>
    tpu.wait_dma2 semaphore(%arg15 : memref<!tpu.dma_semaphore, #tpu.memory_space<semaphore_mem>>) src(%arg11 : memref<128x128xf32, #tpu.memory_space<vmem>>) dst(%dma_wait3A_118 : memref<128x128xf32, #tpu.memory_space<hbm>>)
    return
  }
}

#map = affine_map<(d0, d1) -> (0)>
#map1 = affine_map<(d0, d1) -> (0, 0)>
module attributes {stable_mosaic.version = 14 : i64} {
  func.func @body(%arg0: i32, %arg1: i32, %arg2: memref<16384xi32, #tpu.memory_space<hbm>>, %arg3: memref<16384xi32, #tpu.memory_space<hbm>>, %arg4: memref<1000x128xf32, #tpu.memory_space<hbm>>, %arg5: memref<1000x128xf32, #tpu.memory_space<hbm>>, %arg6: memref<4096x128xf32, #tpu.memory_space<hbm>>, %arg7: memref<4096x128xf32, #tpu.memory_space<hbm>>, %arg8: memref<128xi32, #tpu.memory_space<vmem>>, %arg9: memref<128xi32, #tpu.memory_space<vmem>>, %arg10: memref<128x128xf32, #tpu.memory_space<vmem>>, %arg11: memref<128x128xf32, #tpu.memory_space<vmem>>, %arg12: memref<!tpu.dma_semaphore, #tpu.memory_space<semaphore_mem>>, %arg13: memref<!tpu.dma_semaphore, #tpu.memory_space<semaphore_mem>>, %arg14: memref<!tpu.dma_semaphore, #tpu.memory_space<semaphore_mem>>, %arg15: memref<!tpu.dma_semaphore, #tpu.memory_space<semaphore_mem>>) attributes {dimension_semantics = [#tpu.dimension_semantics<core_parallel>, #tpu.dimension_semantics<subcore_parallel>], iteration_bounds = array<i64: 2, 16>, scalar_prefetch = 0 : i64, scratch_operands = 8 : i64, tpu.core_type = #tpu.core_type<sc_vector_subcore>, window_params = [{transform_indices = #map}, {transform_indices = #map}, {transform_indices = #map1}, {transform_indices = #map1}, {transform_indices = #map1}, {transform_indices = #map1}]} {
    %mul3A = arith.constant 2 : i32
    %mul3A_0 = arith.muli %arg1, %mul3A : i32
    %add3A = arith.addi %mul3A_0, %arg0 : i32
    %mul3A_1 = arith.constant 128 : i32
    %mul3A_2 = arith.muli %add3A, %mul3A_1 : i32
    %add3A_3 = arith.constant 0 : i32
    %add3A_4 = arith.addi %add3A_3, %mul3A_2 : i32
    "tpu.region"() ({
      %run_scoped3A = tpu.sem_alloc : memref<!tpu.dma_semaphore, #tpu.memory_space<semaphore_mem>>
      %dma_start3A_43 = tpu.memref_slice %arg2[%add3A_4] : memref<16384xi32, #tpu.memory_space<hbm>> -> memref<128xi32, #tpu.memory_space<hbm>>
      %dma_start3A_44 = tpu.memref_slice %arg2[%add3A_4] : memref<16384xi32, #tpu.memory_space<hbm>> -> memref<128xi32, #tpu.memory_space<hbm>>
      tpu.enqueue_dma source(%dma_start3A_44 : memref<128xi32, #tpu.memory_space<hbm>>) target(%arg8 : memref<128xi32, #tpu.memory_space<vmem>>) target_semaphore(%run_scoped3A : memref<!tpu.dma_semaphore, #tpu.memory_space<semaphore_mem>>)
      %dma_wait3A_45 = tpu.memref_slice %arg2[%add3A_4] : memref<16384xi32, #tpu.memory_space<hbm>> -> memref<128xi32, #tpu.memory_space<hbm>>
      %dma_wait3A_46 = tpu.memref_slice %arg2[%add3A_4] : memref<16384xi32, #tpu.memory_space<hbm>> -> memref<128xi32, #tpu.memory_space<hbm>>
      tpu.wait_dma2 semaphore(%run_scoped3A : memref<!tpu.dma_semaphore, #tpu.memory_space<semaphore_mem>>) src(%dma_wait3A_46 : memref<128xi32, #tpu.memory_space<hbm>>) dst(%arg8 : memref<128xi32, #tpu.memory_space<vmem>>)
      tpu.yield
    }) : () -> ()
    %add3A_5 = arith.constant 0 : i32
    %add3A_6 = arith.addi %add3A_5, %mul3A_2 : i32
    "tpu.region"() ({
      %run_scoped3A = tpu.sem_alloc : memref<!tpu.dma_semaphore, #tpu.memory_space<semaphore_mem>>
      %dma_start3A_43 = tpu.memref_slice %arg3[%add3A_6] : memref<16384xi32, #tpu.memory_space<hbm>> -> memref<128xi32, #tpu.memory_space<hbm>>
      %dma_start3A_44 = tpu.memref_slice %arg3[%add3A_6] : memref<16384xi32, #tpu.memory_space<hbm>> -> memref<128xi32, #tpu.memory_space<hbm>>
      tpu.enqueue_dma source(%dma_start3A_44 : memref<128xi32, #tpu.memory_space<hbm>>) target(%arg9 : memref<128xi32, #tpu.memory_space<vmem>>) target_semaphore(%run_scoped3A : memref<!tpu.dma_semaphore, #tpu.memory_space<semaphore_mem>>)
      %dma_wait3A_45 = tpu.memref_slice %arg3[%add3A_6] : memref<16384xi32, #tpu.memory_space<hbm>> -> memref<128xi32, #tpu.memory_space<hbm>>
      %dma_wait3A_46 = tpu.memref_slice %arg3[%add3A_6] : memref<16384xi32, #tpu.memory_space<hbm>> -> memref<128xi32, #tpu.memory_space<hbm>>
      tpu.wait_dma2 semaphore(%run_scoped3A : memref<!tpu.dma_semaphore, #tpu.memory_space<semaphore_mem>>) src(%dma_wait3A_46 : memref<128xi32, #tpu.memory_space<hbm>>) dst(%arg9 : memref<128xi32, #tpu.memory_space<vmem>>)
      tpu.yield
    }) : () -> ()
    %add3A_7 = arith.constant 0 : i32
    %add3A_8 = arith.addi %mul3A_2, %add3A_7 : i32
    %dma_start3A = arith.constant 0 : i32
    %dma_start3A_9 = tpu.memref_slice %arg8[%dma_start3A] : memref<128xi32, #tpu.memory_space<vmem>> -> memref<128xi32, #tpu.memory_space<vmem>>
    %dma_start3A_10 = arith.constant 0 : i32
    %dma_start3A_11 = arith.constant 0 : i32
    %dma_start3A_12 = tpu.memref_slice %arg4[%dma_start3A_10, %dma_start3A_11] : memref<1000x128xf32, #tpu.memory_space<hbm>> -> memref<1000x128xf32, #tpu.memory_space<hbm>>
    tpu.enqueue_indirect_dma source(%dma_start3A_12 : memref<1000x128xf32, #tpu.memory_space<hbm>>) target(%arg10 : memref<128x128xf32, #tpu.memory_space<vmem>>) offsets(%dma_start3A_9 : memref<128xi32, #tpu.memory_space<vmem>>) semaphore(%arg12 : memref<!tpu.dma_semaphore, #tpu.memory_space<semaphore_mem>>)
    %dma_start3A_13 = arith.constant 0 : i32
    %dma_start3A_14 = tpu.memref_slice %arg9[%dma_start3A_13] : memref<128xi32, #tpu.memory_space<vmem>> -> memref<128xi32, #tpu.memory_space<vmem>>
    %dma_start3A_15 = arith.constant 0 : i32
    %dma_start3A_16 = arith.constant 0 : i32
    %dma_start3A_17 = tpu.memref_slice %arg5[%dma_start3A_15, %dma_start3A_16] : memref<1000x128xf32, #tpu.memory_space<hbm>> -> memref<1000x128xf32, #tpu.memory_space<hbm>>
    tpu.enqueue_indirect_dma source(%dma_start3A_17 : memref<1000x128xf32, #tpu.memory_space<hbm>>) target(%arg11 : memref<128x128xf32, #tpu.memory_space<vmem>>) offsets(%dma_start3A_14 : memref<128xi32, #tpu.memory_space<vmem>>) semaphore(%arg13 : memref<!tpu.dma_semaphore, #tpu.memory_space<semaphore_mem>>)
    %dma_wait3A = arith.constant 0 : i32
    %dma_wait3A_18 = tpu.memref_slice %arg8[%dma_wait3A] : memref<128xi32, #tpu.memory_space<vmem>> -> memref<128xi32, #tpu.memory_space<vmem>>
    %dma_wait3A_19 = arith.constant 0 : i32
    %dma_wait3A_20 = arith.constant 0 : i32
    %dma_wait3A_21 = tpu.memref_slice %arg4[%dma_wait3A_19, %dma_wait3A_20] : memref<1000x128xf32, #tpu.memory_space<hbm>> -> memref<1000x128xf32, #tpu.memory_space<hbm>>
    tpu.wait_indirect_dma semaphore(%arg12 : memref<!tpu.dma_semaphore, #tpu.memory_space<semaphore_mem>>) src(%dma_wait3A_21 : memref<1000x128xf32, #tpu.memory_space<hbm>>) dst(%arg10 : memref<128x128xf32, #tpu.memory_space<vmem>>)
    %dma_start3A_22 = arith.constant 0 : i32
    %dma_start3A_23 = tpu.memref_slice %arg6[%add3A_8, %dma_start3A_22] : memref<4096x128xf32, #tpu.memory_space<hbm>> -> memref<128x128xf32, #tpu.memory_space<hbm>>
    %dma_start3A_24 = arith.constant 0 : i32
    %dma_start3A_25 = tpu.memref_slice %arg6[%add3A_8, %dma_start3A_24] : memref<4096x128xf32, #tpu.memory_space<hbm>> -> memref<128x128xf32, #tpu.memory_space<hbm>>
    tpu.enqueue_dma source(%arg10 : memref<128x128xf32, #tpu.memory_space<vmem>>) target(%dma_start3A_25 : memref<128x128xf32, #tpu.memory_space<hbm>>) target_semaphore(%arg14 : memref<!tpu.dma_semaphore, #tpu.memory_space<semaphore_mem>>)
    %dma_wait3A_26 = arith.constant 0 : i32
    %dma_wait3A_27 = tpu.memref_slice %arg9[%dma_wait3A_26] : memref<128xi32, #tpu.memory_space<vmem>> -> memref<128xi32, #tpu.memory_space<vmem>>
    %dma_wait3A_28 = arith.constant 0 : i32
    %dma_wait3A_29 = arith.constant 0 : i32
    %dma_wait3A_30 = tpu.memref_slice %arg5[%dma_wait3A_28, %dma_wait3A_29] : memref<1000x128xf32, #tpu.memory_space<hbm>> -> memref<1000x128xf32, #tpu.memory_space<hbm>>
    tpu.wait_indirect_dma semaphore(%arg13 : memref<!tpu.dma_semaphore, #tpu.memory_space<semaphore_mem>>) src(%dma_wait3A_30 : memref<1000x128xf32, #tpu.memory_space<hbm>>) dst(%arg11 : memref<128x128xf32, #tpu.memory_space<vmem>>)
    %dma_start3A_31 = arith.constant 0 : i32
    %dma_start3A_32 = tpu.memref_slice %arg7[%add3A_8, %dma_start3A_31] : memref<4096x128xf32, #tpu.memory_space<hbm>> -> memref<128x128xf32, #tpu.memory_space<hbm>>
    %dma_start3A_33 = arith.constant 0 : i32
    %dma_start3A_34 = tpu.memref_slice %arg7[%add3A_8, %dma_start3A_33] : memref<4096x128xf32, #tpu.memory_space<hbm>> -> memref<128x128xf32, #tpu.memory_space<hbm>>
    tpu.enqueue_dma source(%arg11 : memref<128x128xf32, #tpu.memory_space<vmem>>) target(%dma_start3A_34 : memref<128x128xf32, #tpu.memory_space<hbm>>) target_semaphore(%arg15 : memref<!tpu.dma_semaphore, #tpu.memory_space<semaphore_mem>>)
    %dma_wait3A_35 = arith.constant 0 : i32
    %dma_wait3A_36 = tpu.memref_slice %arg6[%add3A_8, %dma_wait3A_35] : memref<4096x128xf32, #tpu.memory_space<hbm>> -> memref<128x128xf32, #tpu.memory_space<hbm>>
    %dma_wait3A_37 = arith.constant 0 : i32
    %dma_wait3A_38 = tpu.memref_slice %arg6[%add3A_8, %dma_wait3A_37] : memref<4096x128xf32, #tpu.memory_space<hbm>> -> memref<128x128xf32, #tpu.memory_space<hbm>>
    tpu.wait_dma2 semaphore(%arg14 : memref<!tpu.dma_semaphore, #tpu.memory_space<semaphore_mem>>) src(%arg10 : memref<128x128xf32, #tpu.memory_space<vmem>>) dst(%dma_wait3A_38 : memref<128x128xf32, #tpu.memory_space<hbm>>)
    %dma_wait3A_39 = arith.constant 0 : i32
    %dma_wait3A_40 = tpu.memref_slice %arg7[%add3A_8, %dma_wait3A_39] : memref<4096x128xf32, #tpu.memory_space<hbm>> -> memref<128x128xf32, #tpu.memory_space<hbm>>
    %dma_wait3A_41 = arith.constant 0 : i32
    %dma_wait3A_42 = tpu.memref_slice %arg7[%add3A_8, %dma_wait3A_41] : memref<4096x128xf32, #tpu.memory_space<hbm>> -> memref<128x128xf32, #tpu.memory_space<hbm>>
    tpu.wait_dma2 semaphore(%arg15 : memref<!tpu.dma_semaphore, #tpu.memory_space<semaphore_mem>>) src(%arg11 : memref<128x128xf32, #tpu.memory_space<vmem>>) dst(%dma_wait3A_42 : memref<128x128xf32, #tpu.memory_space<hbm>>)
    return
  }
}

module attributes {stable_mosaic.version = 14 : i64} {
  func.func @_mlp_body(%arg0: i32, %arg1: memref<1024x128xf32, #tpu.memory_space<vmem>>, %arg2: memref<1024x128xf32, #tpu.memory_space<vmem>>, %arg3: memref<2048x128xbf16, #tpu.memory_space<vmem>>, %arg4: memref<1000x2048xbf16, #tpu.memory_space<vmem>>, %arg5: memref<1000x1024xf32, #tpu.memory_space<vmem>>) attributes {dimension_semantics = [#tpu.dimension_semantics<arbitrary>], iteration_bounds = array<i64: 4>, scalar_prefetch = 0 : i64, scratch_operands = 0 : i64, tpu.core_type = #tpu.core_type<tc>, window_params = [{transform_indices = @transform_0, window_bounds = array<i64: 1024, 128>}, {transform_indices = @transform_1, window_bounds = array<i64: 1024, 128>}, {pipeline_mode = #tpu.pipeline_mode<synchronous>, transform_indices = @transform_2, window_bounds = array<i64: 2048, 128>}, {pipeline_mode = #tpu.pipeline_mode<synchronous>, transform_indices = @transform_3, window_bounds = array<i64: 1000, 2048>}, {transform_indices = @transform_4, window_bounds = array<i64: 1000, 1024>}]} {
    %get3A = arith.constant 0 : index
    %get3A_0 = arith.constant 0 : index
    %get3A_1 = vector.load %arg1[%get3A, %get3A_0] : memref<1024x128xf32, #tpu.memory_space<vmem>>, vector<1024x128xf32>
    %get3A_2 = arith.constant 0 : index
    %get3A_3 = arith.constant 0 : index
    %get3A_4 = vector.load %arg2[%get3A_2, %get3A_3] : memref<1024x128xf32, #tpu.memory_space<vmem>>, vector<1024x128xf32>
    %add3A = arith.addf %get3A_1, %get3A_4 : vector<1024x128xf32>
    %convert_element_type3A = arith.truncf %add3A : vector<1024x128xf32> to vector<1024x128xbf16>
    %get3A_5 = arith.constant 0 : index
    %get3A_6 = arith.constant 0 : index
    %get3A_7 = vector.load %arg3[%get3A_5, %get3A_6] : memref<2048x128xbf16, #tpu.memory_space<vmem>>, vector<2048x128xbf16>
    %dot_general3A = arith.constant dense<0.000000e+00> : vector<1024x2048xf32>
    %dot_general3A_8 = tpu.matmul %convert_element_type3A, %get3A_7, %dot_general3A {dimension_numbers = #tpu.dot_dimension_numbers<[1], [1], [0], [0], [0, 0, 1, 0], [], []>, transpose_lhs_hint = false} : vector<1024x128xbf16>, vector<2048x128xbf16>, vector<1024x2048xf32> -> vector<1024x2048xf32>
    %max3A = arith.constant 0.000000e+00 : f32
    %max3A_9 = vector.broadcast %max3A : f32 to vector<1024x2048xf32>
    %max3A_10 = arith.maximumf %dot_general3A_8, %max3A_9 : vector<1024x2048xf32>
    %get3A_11 = arith.constant 0 : index
    %get3A_12 = arith.constant 0 : index
    %get3A_13 = vector.load %arg4[%get3A_11, %get3A_12] : memref<1000x2048xbf16, #tpu.memory_space<vmem>>, vector<1000x2048xbf16>
    %convert_element_type3A_14 = arith.truncf %max3A_10 : vector<1024x2048xf32> to vector<1024x2048xbf16>
    %dot_general3A_15 = arith.constant dense<0.000000e+00> : vector<1000x1024xf32>
    %dot_general3A_16 = tpu.matmul %get3A_13, %convert_element_type3A_14, %dot_general3A_15 {dimension_numbers = #tpu.dot_dimension_numbers<[1], [1], [0], [0], [0, 0, 1, 0], [], []>, transpose_lhs_hint = false} : vector<1000x2048xbf16>, vector<1024x2048xbf16>, vector<1000x1024xf32> -> vector<1000x1024xf32>
    %swap3A = arith.constant 0 : index
    %swap3A_17 = arith.constant 0 : index
    %swap3A_18 = vector.load %arg5[%swap3A, %swap3A_17] : memref<1000x1024xf32, #tpu.memory_space<vmem>>, vector<1000x1024xf32>
    tpu.vector_store %arg5[%swap3A, %swap3A_17], %dot_general3A_16 {strides = array<i32>} : memref<1000x1024xf32, #tpu.memory_space<vmem>>, vector<1000x1024xf32>,
    return
  }
  func.func @transform_0(%arg0: i32) -> (i32, i32) {
    %c0_i32 = arith.constant 0 : i32
    %c0_i32_0 = arith.constant 0 : i32
    return %arg0, %c0_i32 : i32, i32
  }
  func.func @transform_1(%arg0: i32) -> (i32, i32) {
    %c0_i32 = arith.constant 0 : i32
    %c0_i32_0 = arith.constant 0 : i32
    return %arg0, %c0_i32 : i32, i32
  }
  func.func @transform_2(%arg0: i32) -> (i32, i32) {
    %c0_i32 = arith.constant 0 : i32
    %c0_i32_0 = arith.constant 0 : i32
    %c0_i32_1 = arith.constant 0 : i32
    return %c0_i32, %c0_i32_0 : i32, i32
  }
  func.func @transform_3(%arg0: i32) -> (i32, i32) {
    %c0_i32 = arith.constant 0 : i32
    %c0_i32_0 = arith.constant 0 : i32
    %c0_i32_1 = arith.constant 0 : i32
    return %c0_i32, %c0_i32_0 : i32, i32
  }
  func.func @transform_4(%arg0: i32) -> (i32, i32) {
    %add3A = arith.constant 0 : i32
    %add3A_0 = arith.addi %arg0, %add3A : i32
    %c0_i32 = arith.constant 0 : i32
    %c0_i32_1 = arith.constant 0 : i32
    return %c0_i32, %add3A_0 : i32, i32
  }
}

module attributes {stable_mosaic.version = 14 : i64} {
  func.func @_mlp_body_alias(%arg0: i32, %arg1: memref<1024x128xf32, #tpu.memory_space<vmem>>, %arg2: memref<1024x128xf32, #tpu.memory_space<vmem>>, %arg3: memref<2048x128xbf16, #tpu.memory_space<vmem>>, %arg4: memref<1000x2048xbf16, #tpu.memory_space<vmem>>, %arg5: memref<1000x16384xf32, #tpu.memory_space<any>>, %arg6: memref<1000x1024xf32, #tpu.memory_space<vmem>>) attributes {dimension_semantics = [#tpu.dimension_semantics<arbitrary>], iteration_bounds = array<i64: 12>, scalar_prefetch = 0 : i64, scratch_operands = 0 : i64, tpu.core_type = #tpu.core_type<tc>, window_params = [{transform_indices = @transform_0, window_bounds = array<i64: 1024, 128>}, {transform_indices = @transform_1, window_bounds = array<i64: 1024, 128>}, {pipeline_mode = #tpu.pipeline_mode<synchronous>, transform_indices = @transform_2, window_bounds = array<i64: 2048, 128>}, {pipeline_mode = #tpu.pipeline_mode<synchronous>, transform_indices = @transform_3, window_bounds = array<i64: 1000, 2048>}, {}, {transform_indices = @transform_5, window_bounds = array<i64: 1000, 1024>}]} {
    %get3A = arith.constant 0 : index
    %get3A_0 = arith.constant 0 : index
    %get3A_1 = vector.load %arg1[%get3A, %get3A_0] : memref<1024x128xf32, #tpu.memory_space<vmem>>, vector<1024x128xf32>
    %get3A_2 = arith.constant 0 : index
    %get3A_3 = arith.constant 0 : index
    %get3A_4 = vector.load %arg2[%get3A_2, %get3A_3] : memref<1024x128xf32, #tpu.memory_space<vmem>>, vector<1024x128xf32>
    %add3A = arith.addf %get3A_1, %get3A_4 : vector<1024x128xf32>
    %convert_element_type3A = arith.truncf %add3A : vector<1024x128xf32> to vector<1024x128xbf16>
    %get3A_5 = arith.constant 0 : index
    %get3A_6 = arith.constant 0 : index
    %get3A_7 = vector.load %arg3[%get3A_5, %get3A_6] : memref<2048x128xbf16, #tpu.memory_space<vmem>>, vector<2048x128xbf16>
    %dot_general3A = arith.constant dense<0.000000e+00> : vector<1024x2048xf32>
    %dot_general3A_8 = tpu.matmul %convert_element_type3A, %get3A_7, %dot_general3A {dimension_numbers = #tpu.dot_dimension_numbers<[1], [1], [0], [0], [0, 0, 1, 0], [], []>, transpose_lhs_hint = false} : vector<1024x128xbf16>, vector<2048x128xbf16>, vector<1024x2048xf32> -> vector<1024x2048xf32>
    %max3A = arith.constant 0.000000e+00 : f32
    %max3A_9 = vector.broadcast %max3A : f32 to vector<1024x2048xf32>
    %max3A_10 = arith.maximumf %dot_general3A_8, %max3A_9 : vector<1024x2048xf32>
    %get3A_11 = arith.constant 0 : index
    %get3A_12 = arith.constant 0 : index
    %get3A_13 = vector.load %arg4[%get3A_11, %get3A_12] : memref<1000x2048xbf16, #tpu.memory_space<vmem>>, vector<1000x2048xbf16>
    %convert_element_type3A_14 = arith.truncf %max3A_10 : vector<1024x2048xf32> to vector<1024x2048xbf16>
    %dot_general3A_15 = arith.constant dense<0.000000e+00> : vector<1000x1024xf32>
    %dot_general3A_16 = tpu.matmul %get3A_13, %convert_element_type3A_14, %dot_general3A_15 {dimension_numbers = #tpu.dot_dimension_numbers<[1], [1], [0], [0], [0, 0, 1, 0], [], []>, transpose_lhs_hint = false} : vector<1000x2048xbf16>, vector<1024x2048xbf16>, vector<1000x1024xf32> -> vector<1000x1024xf32>
    %swap3A = arith.constant 0 : index
    %swap3A_17 = arith.constant 0 : index
    %swap3A_18 = vector.load %arg6[%swap3A, %swap3A_17] : memref<1000x1024xf32, #tpu.memory_space<vmem>>, vector<1000x1024xf32>
    tpu.vector_store %arg6[%swap3A, %swap3A_17], %dot_general3A_16 {strides = array<i32>} : memref<1000x1024xf32, #tpu.memory_space<vmem>>, vector<1000x1024xf32>,
    return
  }
  func.func @transform_0(%arg0: i32) -> (i32, i32) {
    %c0_i32 = arith.constant 0 : i32
    %c0_i32_0 = arith.constant 0 : i32
    return %arg0, %c0_i32 : i32, i32
  }
  func.func @transform_1(%arg0: i32) -> (i32, i32) {
    %c0_i32 = arith.constant 0 : i32
    %c0_i32_0 = arith.constant 0 : i32
    return %arg0, %c0_i32 : i32, i32
  }
  func.func @transform_2(%arg0: i32) -> (i32, i32) {
    %c0_i32 = arith.constant 0 : i32
    %c0_i32_0 = arith.constant 0 : i32
    %c0_i32_1 = arith.constant 0 : i32
    return %c0_i32, %c0_i32_0 : i32, i32
  }
  func.func @transform_3(%arg0: i32) -> (i32, i32) {
    %c0_i32 = arith.constant 0 : i32
    %c0_i32_0 = arith.constant 0 : i32
    %c0_i32_1 = arith.constant 0 : i32
    return %c0_i32, %c0_i32_0 : i32, i32
  }
  func.func @transform_5(%arg0: i32) -> (i32, i32) {
    %add3A = arith.constant 4 : i32
    %add3A_0 = arith.addi %arg0, %add3A : i32
    %c0_i32 = arith.constant 0 : i32
    %c0_i32_1 = arith.constant 0 : i32
    return %c0_i32, %add3A_0 : i32, i32
  }
}

</mosaic_0001>

<sc_bundles>
// kernel: kernel.6.cloned.1.call-start
scs
__scs_entry_jumppad:
0x0: {  	(pc) =	sbr.rel $0x88, $3  }
0x1: {  	(tag) =	ssettag $0x0;
	lr =	simm.s32 $0x1  }
0x2: {  	[smem:$0x3F9B] =	sst lr;
	_ =	strace $0xD0000000  }
0x3: {  	_ = 	snop  }
0x4: {  	_ = 	snop  }
0x5: {  	_ = 	snop  }
0x6: {  	_ = 	snop  }
0x7: {  	_ = 	snop  }
__scs_overlays_trampoline_lowered:
0x8: {  	[smem:$0x3FAA] =	sst s0  }
0x9: {  	[smem:$0x3FAB] =	sst s1  }
0xa: {  	[smem:$0x3FAC] =	sst s2  }
0xb: {  	[smem:$0x3FAD] =	sst s3  }
0xc: {  	[smem:$0x3FAE] =	sst s4  }
0xd: {  	[smem:$0x3FAF] =	sst s5  }
0xe: {  	[smem:$0x3FB0] =	sst s6  }
0xf: {  	[smem:$0x3FB1] =	sst s7  }
0x10: {  	[smem:$0x3FB2] =	sst s8  }
0x11: {  	[smem:$0x3FB3] =	sst s9;
	s0 =	simm.s32 @!p0 $0x0  }
0x12: {  	s1 =	sld [smem:$0x3F99];
	s0 =	simm.s32 @p0 $0x1  }
0x13: {  	[smem:$0x3FB4] =	sst s0;
	s0 =	simm.s32 @!p1 $0x0  }
0x14: {  	s2 =	sld [smem:$0x3F98];
	s0 =	simm.s32 @p1 $0x1  }
0x15: {  	[smem:$0x3FB5] =	sst s0;
	s0 =	simm.s32 @!p2 $0x0  }
0x16: {  	s3 =	sld [smem:$0x3FDB];
	s0 =	simm.s32 @p2 $0x1  }
0x17: {  	s4 =	simm.s32 $0x1BF5;
	[smem:$0x3FB7] =	sst s0  }
0x18: {  	s0 =	sld [smem:$0x3F9A];
	_ =	swait.ge [sflag:s4], $0x0  }
0x19: {  	s7 =	sld [smem:$0x3F9B]  }
0x1a: {  	s8 =	sadd.s32 $0xFFFFE003, lr  }
0x1b: {  	s9 =	sadd.s32 $0xFFFFFEF7, lr;
	s5 =	simm.s32 $0xFFFFFFFF;
	p2 =	slt.u32 s8, $0xFFFFF086  }
0x1c: {  	p1 =	slt.u32 s9, $0xF7A;
	s5 =	simm.s32 @!p2 $0x0  }
0x1d: {  	s5 =	simm.s32 @p1 $0x1;
	p0 =	seq.s32 s7, s2  }
0x1e: {  	s7 =	smul.u32 @!p0 $0xF7A, s2;
	p2 =	seq.s32 @!p0 s5, $0x0  }
0x1f: {  	s9 =	smul.u32 $0xF7A, s1;
	s8 =	simm.s32 @!p0 $0x1BF5;
	p2 =	por !p2, p0  }
0x20: {  	[sflag:s8] =	ssyncset.s32 @!p0 $0xFFFFF086;
	s6 =	sadd.s32 @!p0 s3, s7;
	s7 =	simm.s32 @!p0 $0x108  }
0x21: {  	s3 =	sadd.s32 s3, s9;
	s6 =	sadd.s32 @!p0 $0x88, s6;
	s7 =	simm.s32 @p2 $0x1082  }
0x22: {  	[simem:s7], [sflag:s8] =	dma.local @!p0 [hbm:s6], $0xF7A  }
0x23: {  	s9 =	sor.u32 $0xD0000000, s2;
	s6 =	simm.s32 $0x108;
	_ =	swait.ge @!p0 [sflag:s8], $0x0  }
0x24: {  	s3 =	sadd.s32 $0x88, s3;
	s6 =	simm.s32 @!p1 $0x1082;
	[sflag:s4] =	ssyncset.s32 $0xFFFFF086  }
0x25: {  	[simem:s6], [sflag:s4] =	dma.local [hbm:s3], $0xF7A  }
0x26: {  	[smem:$0x3F9B] =	sst s1;
	(tag) =	ssettag s2;
	_ =	strace s9  }
0x27: {  	s1 =	sld [smem:$0x3FAB]  }
0x28: {  	s2 =	sld [smem:$0x3FAC]  }
0x29: {  	s4 =	sld [smem:$0x3FAE]  }
0x2a: {  	p0 =	seq.s32 s5, $0x0;
	s5 =	sld [smem:$0x3FAF]  }
0x2b: {  	s6 =	sld [smem:$0x3FB0]  }
0x2c: {  	s7 =	sld [smem:$0x3FB1]  }
0x2d: {  	s3 =	simm.s32 $0x108;
	s8 =	sld [smem:$0x3FB2]  }
0x2e: {  	s3 =	simm.s32 @!p0 $0x1082;
	s9 =	sld [smem:$0x3FB3]  }
0x2f: {  	lr =	sadd.s32 s0, s3;
	s0 =	sld [smem:$0x3FAA]  }
0x30: {  	s3 =	sld [smem:$0x3FAD]  }
0x31: {  	[smem:$0x3FB6] =	sst s10  }
0x32: {  	s10 =	sld [smem:$0x3FB4];
	_ =	sdelay $0x3  }
0x33: {  	p0 =	seq.s32 s10, $0x1;
	s10 =	sld [smem:$0x3FB6];
	_ =	sdelay $0x3  }
0x34: {  	[smem:$0x3FB6] =	sst s10  }
0x35: {  	s10 =	sld [smem:$0x3FB5];
	_ =	sdelay $0x3  }
0x36: {  	p1 =	seq.s32 s10, $0x1;
	s10 =	sld [smem:$0x3FB6];
	_ =	sdelay $0x3  }
0x37: {  	[smem:$0x3FB6] =	sst s10  }
0x38: {  	s10 =	sld [smem:$0x3FB7]  }
0x39: {  	_ = 	snop;
	(pc) =	sbr.ind lr, $3  }
0x3a: {  	_ = 	snop  }
0x3b: {  	_ = 	snop  }
0x3c: {  	p2 =	seq.s32 s10, $0x1;
	s10 =	sld [smem:$0x3FB6]  }
0x3d: {  	_ =	shalt  }
0x3e: {  	_ =	shalt  }
0x3f: {  	_ =	shalt  }
0x40: {  	_ =	shalt  }
0x41: {  	_ =	shalt  }
0x42: {  	_ =	shalt  }
0x43: {  	_ =	shalt  }
0x44: {  	_ =	shalt  }
0x45: {  	_ =	shalt  }
0x46: {  	_ =	shalt  }
0x47: {  	_ =	shalt  }
0x48: {  	_ =	shalt  }
0x49: {  	_ =	shalt  }
0x4a: {  	_ =	shalt  }
0x4b: {  	_ =	shalt  }
0x4c: {  	_ =	shalt  }
0x4d: {  	_ =	shalt  }
0x4e: {  	_ =	shalt  }
0x4f: {  	_ =	shalt  }
0x50: {  	_ =	shalt  }
0x51: {  	_ =	shalt  }
0x52: {  	_ =	shalt  }
0x53: {  	_ =	shalt  }
0x54: {  	_ =	shalt  }
0x55: {  	_ =	shalt  }
0x56: {  	_ =	shalt  }
0x57: {  	_ =	shalt  }
0x58: {  	_ =	shalt  }
0x59: {  	_ =	shalt  }
0x5a: {  	_ =	shalt  }
0x5b: {  	_ =	shalt  }
0x5c: {  	_ =	shalt  }
0x5d: {  	_ =	shalt  }
0x5e: {  	_ =	shalt  }
0x5f: {  	_ =	shalt  }
0x60: {  	_ =	shalt  }
0x61: {  	_ =	shalt  }
0x62: {  	_ =	shalt  }
0x63: {  	_ =	shalt  }
0x64: {  	_ =	shalt  }
0x65: {  	_ =	shalt  }
0x66: {  	_ =	shalt  }
0x67: {  	_ =	shalt  }
0x68: {  	_ =	shalt  }
0x69: {  	_ =	shalt  }
0x6a: {  	_ =	shalt  }
0x6b: {  	_ =	shalt  }
0x6c: {  	_ =	shalt  }
0x6d: {  	_ =	shalt  }
0x6e: {  	_ =	shalt  }
0x6f: {  	_ =	shalt  }
0x70: {  	_ =	shalt  }
0x71: {  	_ =	shalt  }
0x72: {  	_ =	shalt  }
0x73: {  	_ =	shalt  }
0x74: {  	_ =	shalt  }
0x75: {  	_ =	shalt  }
0x76: {  	_ =	shalt  }
0x77: {  	_ =	shalt  }
0x78: {  	_ =	shalt  }
0x79: {  	_ =	shalt  }
0x7a: {  	_ =	shalt  }
0x7b: {  	_ =	shalt  }
0x7c: {  	_ =	shalt  }
0x7d: {  	_ =	shalt  }
0x7e: {  	_ =	shalt  }
0x7f: {  	_ =	shalt  }
0x80: {  	_ =	shalt  }
0x81: {  	_ =	shalt  }
0x82: {  	_ =	shalt  }
0x83: {  	_ =	shalt  }
0x84: {  	_ =	shalt  }
0x85: {  	_ =	shalt  }
0x86: {  	_ =	shalt  }
0x87: {  	_ =	shalt  }
.Lfunc_end0:
.L_simem_size_0:
called_computation_lowered:
.L_overlay_start_0:
0x88: {  	s2 =	sld [smem:$0x3FD9]  }
0x89: {  	s3 =	sld [smem:$0x3FFE];
	_ =	sdelay $0x1  }
0x8a: {  	s1 =	srdreg.scid  }
0x8b: {  	s0 =	sand.u32 $0x1, s1  }
0x8c: {  	s17 =	sshll.u32 s0, $0xA;
	s2 =	sadd.s32 s3, s2  }
0x8d: {  	s2 =	sadd.s32 s2, s17  }
0x8e: {  	[smem:$0x3FC2] =	sst s2  }
0x8f: {  	_ = 	snop  }
0x90: {  	s2 =	sld [smem:$0x3FC9]  }
0x91: {  	s18 =	sld [smem:$0x3FC8]  }
0x92: {  	s4 =	sld [smem:$0x3FC7]  }
0x93: {  	s5 =	sld [smem:$0x3FC6]  }
0x94: {  	s6 =	sld [smem:$0x3FD0];
	(tm) =	ssettm $0x1  }
0x95: {  	s7 =	sld [smem:$0x3FFB];
	_ =	sdelay $0x3  }
0x96: {  	_ =	strace s7  }
0x97: {  	s7 =	sld [smem:$0x3FFC];
	_ =	sdelay $0x3  }
0x98: {  	_ =	strace s7  }
0x99: {  	s7 =	sld [smem:$0x3FFD];
	_ =	sdelay $0x3  }
0x9a: {  	_ =	strace s7  }
0x9b: {  	_ =	strace $0x8FFFFFFF  }
0x9c: {  	s19 =	sld [smem:$0x3FDB];
	_ =	sdelay $0x1  }
0x9d: {  	s8 =	simm.s32 $_scs_section_size  }
0x9e: {  	s9 =	simm.s32 $_size__tile_overlayer_lowered;
	s10 =	simm.s32 $_tile_overlayer_lowered  }
0x9f: {  	s22 =	simm.s32 $0x1BFF;
	s21 =	sshll.u32 s10, $0x1;
	s7 =	sadd.s32 s8, s19  }
0xa0: {  	s11 =	simm.s32 $0x0;
	s20 =	sshll.u32 s9, $0x1;
	s9 =	sadd.s32 s21, s7  }
0xa1: {  	[timem:s11], [sflag:s22] =	dma.local [hbm:s9], s20  }
0xa2: {  	_ =	swait.ge [sflag:s22], s20  }
0xa3: {  	s8 =	ssub.s32 $0x0, s20;
	[sflag:s22] =	ssyncset.done $0x0  }
0xa4: {  	[sflag:s22] =	ssyncadd.s32 s8;
	_ =	sdelay $0x1  }
0xa5: {  	s23 =	simm.s32 $0x1B8B  }
0xa6: {  	_ =	swait.ge [sflag:s23], $0x1  }
0xa7: {  	[sflag:s23] =	ssyncset.done $0x0  }
0xa8: {  	s25 =	simm.s32 $0x1B8E;
	s24 =	sld [smem:$0x3FFE];
	[sflag:s23] =	ssyncadd.s32 $0xFFFFFFFF  }
0xa9: {  	s26 =	simm.s32 $execute0_lowered;
	[smem:$0x3FD2] =	sst s25  }
0xaa: {  	s9 =	sshll.u32 s26, $0x1;
	_ =	strace $0x80000046;
	[dreg:$0x1] =	wrdreg $0xFFFFFFFF  }
0xab: {  	s28 =	simm.s32 $_size_execute0_lowered;
	s7 =	sadd.s32 s7, s9;
	[dreg:$0x0] =	wrdreg $0x0  }
0xac: {  	s9 =	sshll.u32 s28, $0x1;
	[dreg:$0x2] =	wrdreg s7  }
0xad: {  	[dreg:$0x3] =	wrdreg s9  }
0xae: {  	[dreg:$0x4] =	wrdreg $0xC0  }
0xaf: {  	_ =	task [dreg:s11], $0x5FFFF  }
0xb0: {  	[dreg:$0x1] =	wrdreg $0xFFFFFFFF  }
0xb1: {  	[dreg:$0x0] =	wrdreg $0x60  }
0xb2: {  	[dreg:$0x2] =	wrdreg s2  }
0xb3: {  	[dreg:$0x3] =	wrdreg s18  }
0xb4: {  	[dreg:$0x4] =	wrdreg s4  }
0xb5: {  	[dreg:$0x5] =	wrdreg s5  }
0xb6: {  	[dreg:$0x6] =	wrdreg s6  }
0xb7: {  	[dreg:$0x7] =	wrdreg s24  }
0xb8: {  	[dreg:$0x8] =	wrdreg $0x9  }
0xb9: {  	_ =	task.clear_ibuf [dreg:s11], $0x9FFFF;
	_ =	strace $0x90000046  }
0xba: {  	s29 =	simm.s32 $0x9;
	_ =	strace $0x80000048  }
0xbb: {  	_ =	swait.ge [sflag:s29], $0x1  }
0xbc: {  	[sflag:s29] =	ssyncadd.s32 $0xFFFFFFFF  }
0xbd: {  	_ =	strace $0x90000048  }
0xbe: {  	_ =	sfence  }
0xbf: {  	s30 =	sld [smem:$0x0];
	_ =	sdelay $0x2  }
0xc0: {  	s31 =	sshll.u32 s1, $0xD;
	s1 =	sshrl.u32 s1, $0x2  }
0xc1: {  	s3 =	sand.u32 $0x4000, s31;
	s1 =	sadd.s32 s1, s30  }
0xc2: {  	s0 =	sor.u32 s3, s0;
	s1 =	sshll.u32 s1, $0x11  }
0xc3: {  	s0 =	sor.u32 s1, s0  }
0xc4: {  	s0 =	sadd.s32 $0x8F2B, s0  }
0xc5: {  	[sflag:s0] =	ssyncadd.remote.s32 $0x1  }
0xc6: {  	_ =	sfence.sel $0xFFFF  }
0xc7: {  	[dreg:$0x0] =	wrdreg $0xFFFFFFFF;
	(pc) =	sbr.abs _section_cstart, $3  }
0xc8: {  	[dreg:$0x1] =	wrdreg $0xFFFFFFFF  }
0xc9: {  	_ =	task.clear_ibuf [dreg:s11], $0x2FFFF;
	_ =	strace $0x9FFFFFFF  }
0xca: {  	(tm) =	ssettm $0x7FFFFFFF  }
0xcb: {  	_ =	shalt  }
tec
execute0_lowered:
.L_overlay_start_1:
0x0: {  	(tag) =	ssettag $0x1  }
0x1: {  	s5 =	rddreg [dreg:$0x0]  }
0x2: {  	s7 =	rddreg [dreg:$0x1]  }
0x3: {  	s1 =	rddreg [dreg:$0x2]  }
0x4: {  	s2 =	rddreg [dreg:$0x3];
	s3 =	srdreg.scid  }
0x5: {  	s12 =	rddreg [dreg:$0x4];
	s0 =	stileid.u32;
	s14 =	sand.u32 $0x1, s3  }
0x6: {  	s15 =	rddreg [dreg:$0x5];
	s6 =	sshll.u32 s0, $0x8;
	s8 =	sshll.u32 s14, $0x7  }
0x7: {  	s4 =	simm.s32 $0x0;
	s3 =	rddreg [dreg:$0x6];
	s13 =	sor.u32 s8, s6  }
0x8: {  	[smem:$0x7FF] =	sst s4;
	s8 =	sshrl.u32 s13, $0x3  }
0x9: {  	_ =	strace $0x80000047;
	s6 =	simm.s32 $0x5;
	s5 =	sadd.s32 s5, s8  }
0xa: {  	[tilespmem:s4], [sflag:$0x5] =	stream.linear.gather [hbm4b:s5+s4], $0x80, $0x38;
	[tilespmem:$0x8100] =	vst v63  }
0xb: {  	_ =	swait.ge [sflag:s6], $0x80  }
0xc: {  	[sflag:s6] =	ssyncset.done $0x0  }
0xd: {  	s7 =	sadd.s32 s7, s8;
	s8 =	simm.s32 $0x80;
	[sflag:s6] =	ssyncadd.s32 $0xFFFFFF80  }
0xe: {  	[tilespmem:s8], [sflag:$0x5] =	stream.linear.gather [hbm4b:s7+s4], $0x80, $0x38;
	[tilespmem:$0x8100] =	vst v63  }
0xf: {  	_ =	swait.ge [sflag:s6], $0x80  }
0x10: {  	[sflag:s6] =	ssyncset.done $0x0  }
0x11: {  	s9 =	simm.s32 $0x100;
	[sflag:s6] =	ssyncadd.s32 $0xFFFFFF80  }
0x12: {  	[tilespmem:s9], [sflag:$0x1] =	stream.indirect.gather [hbm4b:s1+s8], $0x80, s4, s8, $0xb8;
	[tilespmem:$0x8100] =	vst v63  }
0x13: {  	s10 =	simm.s32 $0x4100;
	s11 =	simm.s32 $0x1  }
0x14: {  	[tilespmem:s10], [sflag:$0x2] =	stream.indirect.gather [hbm4b:s2+s8], $0x80, s8, s8, $0xb8;
	[tilespmem:$0x8100] =	vst v63  }
0x15: {  	s31 =	ssub.s32 $0x2, s14;
	_ =	swait.ge [sflag:s11], $0x4000  }
0x16: {  	s17 =	sshrl.u32 s31, $0x1;
	s16 =	sshll.u32 s13, $0x4;
	[sflag:s11] =	ssyncset.done $0x0  }
0x17: {  	s13 =	simm.s32 $0x2;
	s12 =	sadd.s32 s12, s16;
	[sflag:s11] =	ssyncadd.s32 $0xFFFFC000  }
0x18: {  	[hbm4b:s12+s4] =	stream.linear.scatter [tilespmem:s9], [sflag:$0x3], $0x4000, $0x38;
	[tilespmem:$0x8100] =	vst v63  }
0x19: {  	s15 =	sadd.s32 s16, s15;
	s16 =	ssub.s32 s31, s17;
	_ =	swait.ge [sflag:s13], $0x4000  }
0x1a: {  	s14 =	sadd.s32 $0x1A00, s15;
	s17 =	smax.u32 s16, $0x1;
	[sflag:s13] =	ssyncset.done $0x0  }
0x1b: {  	s15 =	simm.s32 $0x3;
	p0 =	sne.s32 s17, $0x1;
	[sflag:s13] =	ssyncadd.s32 $0xFFFFC000  }
0x1c: {  	[hbm4b:s14+s4] =	stream.linear.scatter [tilespmem:s10], [sflag:$0x4], $0x4000, $0x38;
	[tilespmem:$0x8100] =	vst v63  }
.Ltmp0:
0x1d: {  	_ =	swait.ge [sflag:s15], $0x4000;
	(pc) =	sbr.rel @!p0 .LBB2_2-.Ltmp0, $4  }
0x1e: {  	[sflag:s15] =	ssyncset.done $0x0  }
0x1f: {  	s16 =	simm.s32 $0x4;
	[sflag:s15] =	ssyncadd.s32 $0xFFFFC000  }
0x20: {  	_ =	swait.ge [sflag:s16], $0x4000  }
0x21: {  	s17 =	sadd.s32 $0xFFFFFFFF, s17;
	[sflag:s16] =	ssyncset.done $0x0  }
.LBB2_1:
0x22: {  	p0 =	sne.s32 s17, $0x1;
	s17 =	sadd.s32 $0xFFFFFFFF, s17;
	[sflag:s16] =	ssyncadd.s32 $0xFFFFC000  }
0x23: {  	[tilespmem:s4], [sflag:$0x5] =	stream.linear.gather [hbm4b:s5+s4], $0x80, $0x38;
	[tilespmem:$0x8100] =	vst v63  }
0x24: {  	_ =	swait.ge [sflag:s6], $0x80  }
0x25: {  	[sflag:s6] =	ssyncset.done $0x0  }
0x26: {  	[sflag:s6] =	ssyncadd.s32 $0xFFFFFF80  }
0x27: {  	[tilespmem:s8], [sflag:$0x5] =	stream.linear.gather [hbm4b:s7+s4], $0x80, $0x38;
	[tilespmem:$0x8100] =	vst v63  }
0x28: {  	_ =	swait.ge [sflag:s6], $0x80  }
0x29: {  	[sflag:s6] =	ssyncset.done $0x0  }
0x2a: {  	[sflag:s6] =	ssyncadd.s32 $0xFFFFFF80  }
0x2b: {  	[tilespmem:s9], [sflag:$0x1] =	stream.indirect.gather [hbm4b:s1+s8], $0x80, s4, s8, $0xb8;
	[tilespmem:$0x8100] =	vst v63  }
0x2c: {  	_ = 	snop  }
0x2d: {  	[tilespmem:s10], [sflag:$0x2] =	stream.indirect.gather [hbm4b:s2+s8], $0x80, s8, s8, $0xb8;
	[tilespmem:$0x8100] =	vst v63  }
0x2e: {  	_ =	swait.ge [sflag:s11], $0x4000  }
0x2f: {  	[sflag:s11] =	ssyncset.done $0x0  }
0x30: {  	[sflag:s11] =	ssyncadd.s32 $0xFFFFC000  }
0x31: {  	[hbm4b:s12+s4] =	stream.linear.scatter [tilespmem:s9], [sflag:$0x3], $0x4000, $0x38;
	[tilespmem:$0x8100] =	vst v63  }
0x32: {  	_ =	swait.ge [sflag:s13], $0x4000  }
0x33: {  	[sflag:s13] =	ssyncset.done $0x0  }
0x34: {  	[sflag:s13] =	ssyncadd.s32 $0xFFFFC000  }
0x35: {  	[hbm4b:s14+s4] =	stream.linear.scatter [tilespmem:s10], [sflag:$0x4], $0x4000, $0x38;
	[tilespmem:$0x8100] =	vst v63  }
.Ltmp1:
0x36: {  	_ =	swait.ge [sflag:s15], $0x4000;
	(pc) =	sbr.rel @p0 .LBB2_1-.Ltmp1, $4  }
0x37: {  	[sflag:s15] =	ssyncset.done $0x0  }
0x38: {  	[sflag:s15] =	ssyncadd.s32 $0xFFFFC000  }
0x39: {  	_ =	swait.ge [sflag:s16], $0x4000  }
0x3a: {  	[sflag:s16] =	ssyncset.done $0x0  }
.LBB2_2:
0x3b: {  	[sflag:s16] =	ssyncadd.s32 $0xFFFFC000  }
0x3c: {  	_ =	sfence.sel $0x180000  }
0x3d: {  	[bflag:$0x0] =	sbarrier.arrive $0xFFFF  }
0x3e: {  	p0 =	sne.s32 s0, $0x0;
	_ =	strace $0x90000047  }
0x3f: {  	s0 =	sadd.s32 @!p0 $0x100000, s3;
	[bflag:$0x2] =	sbarrier.arrive $0xFFFF  }
0x40: {  	[sflag:s0] =	ssyncadd.tile.s32 @!p0 $0x1;
	_ =	shalt  }
.Lfunc_end2:
_tile_overlayer_lowered:
.L_overlay_start_2:
0x41: {  	(tag) =	ssettag $0x2  }
0x42: {  	s0 =	rddreg [dreg:$0x0];
	s2 =	stileid.u32  }
0x43: {  	s1 =	rddreg [dreg:$0x1];
	p0 =	sne.s32 s2, $0x0  }
0x44: {  	s3 =	rddreg [dreg:$0x2];
	[bflag:$0x3] =	sbarrier.arrive $0xFFFF;
	s2 =	simm.s32 @!p0 $0x1C05  }
0x45: {  	[timem:s3], [sflag:s2] =	dma.local @!p0 [hbm:s0], s1  }
0x46: {  	s0 =	simm.s32 @!p0 $0x5  }
0x47: {  	_ =	swait.ge @!p0 [sflag:s0], s1  }
0x48: {  	s1 =	ssub.s32 @!p0 $0x0, s1;
	[sflag:s0] =	ssyncset.done @!p0 $0x0  }
0x49: {  	[sflag:s0] =	ssyncadd.s32 @!p0 s1  }
0x4a: {  	[bflag:$0x3] =	sbarrier.arrive $0xFFFF  }
0x4b: {  	_ =	shalt  }

// kernel: kernel.9.cloned.1.call-start
scs
__scs_entry_jumppad:
0x0: {  	(pc) =	sbr.rel $0x88, $3  }
0x1: {  	(tag) =	ssettag $0x0;
	lr =	simm.s32 $0x1  }
0x2: {  	[smem:$0x3F9B] =	sst lr;
	_ =	strace $0xD0000000  }
0x3: {  	_ = 	snop  }
0x4: {  	_ = 	snop  }
0x5: {  	_ = 	snop  }
0x6: {  	_ = 	snop  }
0x7: {  	_ = 	snop  }
__scs_overlays_trampoline_lowered:
0x8: {  	[smem:$0x3FAA] =	sst s0  }
0x9: {  	[smem:$0x3FAB] =	sst s1  }
0xa: {  	[smem:$0x3FAC] =	sst s2  }
0xb: {  	[smem:$0x3FAD] =	sst s3  }
0xc: {  	[smem:$0x3FAE] =	sst s4  }
0xd: {  	[smem:$0x3FAF] =	sst s5  }
0xe: {  	[smem:$0x3FB0] =	sst s6  }
0xf: {  	[smem:$0x3FB1] =	sst s7  }
0x10: {  	[smem:$0x3FB2] =	sst s8  }
0x11: {  	[smem:$0x3FB3] =	sst s9;
	s0 =	simm.s32 @!p0 $0x0  }
0x12: {  	s1 =	sld [smem:$0x3F99];
	s0 =	simm.s32 @p0 $0x1  }
0x13: {  	[smem:$0x3FB4] =	sst s0;
	s0 =	simm.s32 @!p1 $0x0  }
0x14: {  	s2 =	sld [smem:$0x3F98];
	s0 =	simm.s32 @p1 $0x1  }
0x15: {  	[smem:$0x3FB5] =	sst s0;
	s0 =	simm.s32 @!p2 $0x0  }
0x16: {  	s3 =	sld [smem:$0x3FDB];
	s0 =	simm.s32 @p2 $0x1  }
0x17: {  	s4 =	simm.s32 $0x1BF5;
	[smem:$0x3FB7] =	sst s0  }
0x18: {  	s0 =	sld [smem:$0x3F9A];
	_ =	swait.ge [sflag:s4], $0x0  }
0x19: {  	s7 =	sld [smem:$0x3F9B]  }
0x1a: {  	s8 =	sadd.s32 $0xFFFFE003, lr  }
0x1b: {  	s9 =	sadd.s32 $0xFFFFFEF7, lr;
	s5 =	simm.s32 $0xFFFFFFFF;
	p2 =	slt.u32 s8, $0xFFFFF086  }
0x1c: {  	p1 =	slt.u32 s9, $0xF7A;
	s5 =	simm.s32 @!p2 $0x0  }
0x1d: {  	s5 =	simm.s32 @p1 $0x1;
	p0 =	seq.s32 s7, s2  }
0x1e: {  	s7 =	smul.u32 @!p0 $0xF7A, s2;
	p2 =	seq.s32 @!p0 s5, $0x0  }
0x1f: {  	s9 =	smul.u32 $0xF7A, s1;
	s8 =	simm.s32 @!p0 $0x1BF5;
	p2 =	por !p2, p0  }
0x20: {  	[sflag:s8] =	ssyncset.s32 @!p0 $0xFFFFF086;
	s6 =	sadd.s32 @!p0 s3, s7;
	s7 =	simm.s32 @!p0 $0x108  }
0x21: {  	s3 =	sadd.s32 s3, s9;
	s6 =	sadd.s32 @!p0 $0x88, s6;
	s7 =	simm.s32 @p2 $0x1082  }
0x22: {  	[simem:s7], [sflag:s8] =	dma.local @!p0 [hbm:s6], $0xF7A  }
0x23: {  	s9 =	sor.u32 $0xD0000000, s2;
	s6 =	simm.s32 $0x108;
	_ =	swait.ge @!p0 [sflag:s8], $0x0  }
0x24: {  	s3 =	sadd.s32 $0x88, s3;
	s6 =	simm.s32 @!p1 $0x1082;
	[sflag:s4] =	ssyncset.s32 $0xFFFFF086  }
0x25: {  	[simem:s6], [sflag:s4] =	dma.local [hbm:s3], $0xF7A  }
0x26: {  	[smem:$0x3F9B] =	sst s1;
	(tag) =	ssettag s2;
	_ =	strace s9  }
0x27: {  	s1 =	sld [smem:$0x3FAB]  }
0x28: {  	s2 =	sld [smem:$0x3FAC]  }
0x29: {  	s4 =	sld [smem:$0x3FAE]  }
0x2a: {  	p0 =	seq.s32 s5, $0x0;
	s5 =	sld [smem:$0x3FAF]  }
0x2b: {  	s6 =	sld [smem:$0x3FB0]  }
0x2c: {  	s7 =	sld [smem:$0x3FB1]  }
0x2d: {  	s3 =	simm.s32 $0x108;
	s8 =	sld [smem:$0x3FB2]  }
0x2e: {  	s3 =	simm.s32 @!p0 $0x1082;
	s9 =	sld [smem:$0x3FB3]  }
0x2f: {  	lr =	sadd.s32 s0, s3;
	s0 =	sld [smem:$0x3FAA]  }
0x30: {  	s3 =	sld [smem:$0x3FAD]  }
0x31: {  	[smem:$0x3FB6] =	sst s10  }
0x32: {  	s10 =	sld [smem:$0x3FB4];
	_ =	sdelay $0x3  }
0x33: {  	p0 =	seq.s32 s10, $0x1;
	s10 =	sld [smem:$0x3FB6];
	_ =	sdelay $0x3  }
0x34: {  	[smem:$0x3FB6] =	sst s10  }
0x35: {  	s10 =	sld [smem:$0x3FB5];
	_ =	sdelay $0x3  }
0x36: {  	p1 =	seq.s32 s10, $0x1;
	s10 =	sld [smem:$0x3FB6];
	_ =	sdelay $0x3  }
0x37: {  	[smem:$0x3FB6] =	sst s10  }
0x38: {  	s10 =	sld [smem:$0x3FB7]  }
0x39: {  	_ = 	snop;
	(pc) =	sbr.ind lr, $3  }
0x3a: {  	_ = 	snop  }
0x3b: {  	_ = 	snop  }
0x3c: {  	p2 =	seq.s32 s10, $0x1;
	s10 =	sld [smem:$0x3FB6]  }
0x3d: {  	_ =	shalt  }
0x3e: {  	_ =	shalt  }
0x3f: {  	_ =	shalt  }
0x40: {  	_ =	shalt  }
0x41: {  	_ =	shalt  }
0x42: {  	_ =	shalt  }
0x43: {  	_ =	shalt  }
0x44: {  	_ =	shalt  }
0x45: {  	_ =	shalt  }
0x46: {  	_ =	shalt  }
0x47: {  	_ =	shalt  }
0x48: {  	_ =	shalt  }
0x49: {  	_ =	shalt  }
0x4a: {  	_ =	shalt  }
0x4b: {  	_ =	shalt  }
0x4c: {  	_ =	shalt  }
0x4d: {  	_ =	shalt  }
0x4e: {  	_ =	shalt  }
0x4f: {  	_ =	shalt  }
0x50: {  	_ =	shalt  }
0x51: {  	_ =	shalt  }
0x52: {  	_ =	shalt  }
0x53: {  	_ =	shalt  }
0x54: {  	_ =	shalt  }
0x55: {  	_ =	shalt  }
0x56: {  	_ =	shalt  }
0x57: {  	_ =	shalt  }
0x58: {  	_ =	shalt  }
0x59: {  	_ =	shalt  }
0x5a: {  	_ =	shalt  }
0x5b: {  	_ =	shalt  }
0x5c: {  	_ =	shalt  }
0x5d: {  	_ =	shalt  }
0x5e: {  	_ =	shalt  }
0x5f: {  	_ =	shalt  }
0x60: {  	_ =	shalt  }
0x61: {  	_ =	shalt  }
0x62: {  	_ =	shalt  }
0x63: {  	_ =	shalt  }
0x64: {  	_ =	shalt  }
0x65: {  	_ =	shalt  }
0x66: {  	_ =	shalt  }
0x67: {  	_ =	shalt  }
0x68: {  	_ =	shalt  }
0x69: {  	_ =	shalt  }
0x6a: {  	_ =	shalt  }
0x6b: {  	_ =	shalt  }
0x6c: {  	_ =	shalt  }
0x6d: {  	_ =	shalt  }
0x6e: {  	_ =	shalt  }
0x6f: {  	_ =	shalt  }
0x70: {  	_ =	shalt  }
0x71: {  	_ =	shalt  }
0x72: {  	_ =	shalt  }
0x73: {  	_ =	shalt  }
0x74: {  	_ =	shalt  }
0x75: {  	_ =	shalt  }
0x76: {  	_ =	shalt  }
0x77: {  	_ =	shalt  }
0x78: {  	_ =	shalt  }
0x79: {  	_ =	shalt  }
0x7a: {  	_ =	shalt  }
0x7b: {  	_ =	shalt  }
0x7c: {  	_ =	shalt  }
0x7d: {  	_ =	shalt  }
0x7e: {  	_ =	shalt  }
0x7f: {  	_ =	shalt  }
0x80: {  	_ =	shalt  }
0x81: {  	_ =	shalt  }
0x82: {  	_ =	shalt  }
0x83: {  	_ =	shalt  }
0x84: {  	_ =	shalt  }
0x85: {  	_ =	shalt  }
0x86: {  	_ =	shalt  }
0x87: {  	_ =	shalt  }
.Lfunc_end0:
.L_simem_size_0:
called_computation.1_lowered:
.L_overlay_start_0:
0x88: {  	s2 =	sld [smem:$0x3FD9]  }
0x89: {  	s3 =	sld [smem:$0x3FFE];
	_ =	sdelay $0x1  }
0x8a: {  	s1 =	srdreg.scid  }
0x8b: {  	s0 =	sand.u32 $0x1, s1  }
0x8c: {  	s17 =	sshll.u32 s0, $0xA;
	s2 =	sadd.s32 s3, s2  }
0x8d: {  	s2 =	sadd.s32 s2, s17  }
0x8e: {  	[smem:$0x3FC2] =	sst s2  }
0x8f: {  	_ = 	snop  }
0x90: {  	s18 =	sld [smem:$0x3FC9]  }
0x91: {  	s4 =	sld [smem:$0x3FC8]  }
0x92: {  	s5 =	sld [smem:$0x3FC7]  }
0x93: {  	s6 =	sld [smem:$0x3FC6];
	(tm) =	ssettm $0x1  }
0x94: {  	s19 =	sld [smem:$0x3FFB];
	_ =	sdelay $0x3  }
0x95: {  	_ =	strace s19  }
0x96: {  	s2 =	sld [smem:$0x3FFC];
	_ =	sdelay $0x3  }
0x97: {  	_ =	strace s2  }
0x98: {  	s2 =	sld [smem:$0x3FFD];
	_ =	sdelay $0x3  }
0x99: {  	_ =	strace s2  }
0x9a: {  	_ =	strace $0x8FFFFFFF  }
0x9b: {  	s20 =	sld [smem:$0x3FDB];
	_ =	sdelay $0x1  }
0x9c: {  	s7 =	simm.s32 $_scs_section_size  }
0x9d: {  	s8 =	simm.s32 $_size__tile_overlayer_lowered;
	s9 =	simm.s32 $_tile_overlayer_lowered  }
0x9e: {  	s10 =	simm.s32 $0x1BFF;
	s21 =	sshll.u32 s9, $0x1;
	s7 =	sadd.s32 s7, s20  }
0x9f: {  	s22 =	simm.s32 $0x0;
	s8 =	sshll.u32 s8, $0x1;
	s9 =	sadd.s32 s21, s7  }
0xa0: {  	[timem:s22], [sflag:s10] =	dma.local [hbm:s9], s8  }
0xa1: {  	_ =	swait.ge [sflag:s10], s8  }
0xa2: {  	s8 =	ssub.s32 $0x0, s8;
	[sflag:s10] =	ssyncset.done $0x0  }
0xa3: {  	[sflag:s10] =	ssyncadd.s32 s8;
	_ =	sdelay $0x1  }
0xa4: {  	s23 =	simm.s32 $0x1B8B  }
0xa5: {  	_ =	swait.ge [sflag:s23], $0x1  }
0xa6: {  	[sflag:s23] =	ssyncset.done $0x0  }
0xa7: {  	[sflag:s23] =	ssyncadd.s32 $0xFFFFFFFF  }
0xa8: {  	s8 =	sld [smem:$0x0]  }
0xa9: {  	s9 =	sand.u32 $0xFFFFFFFE, s1  }
0xaa: {  	p0 =	sne.s32 s1, s9  }
0xab: {  	s9 =	sshll.u32 @p0 s9, $0xE  }
0xac: {  	s9 =	sadd.s32 @p0 $0x11B8D, s9;
	s10 =	sshll.u32 @p0 s8, $0x11  }
0xad: {  	s9 =	sor.u32 @p0 s10, s9  }
0xae: {  	[sflag:s9] =	ssyncadd.remote.s32 @p0 $0x1;
	_ =	sdelay $0x1  }
0xaf: {  	s9 =	simm.s32 @p0 $0x1B8D  }
0xb0: {  	_ =	swait.eq @p0 [sflag:s9], $0x1  }
0xb1: {  	[sflag:s9] =	ssyncadd.s32 @p0 $0xFFFFFFFF  }
0xb2: {  	s10 =	sshll.u32 @!p0 s1, $0xE  }
0xb3: {  	s10 =	sor.u32 @!p0 $0x4000, s10;
	s9 =	simm.s32 @!p0 $0x1B8D  }
0xb4: {  	s8 =	sshll.u32 @!p0 s8, $0x11;
	s10 =	sadd.s32 @!p0 $0x11B8D, s10;
	_ =	swait.eq @!p0 [sflag:s9], $0x1  }
0xb5: {  	s8 =	sor.u32 @!p0 s8, s10;
	[sflag:s9] =	ssyncadd.s32 @!p0 $0xFFFFFFFF  }
0xb6: {  	s25 =	simm.s32 $0x1B8E;
	s24 =	sld [smem:$0x3FFE];
	[sflag:s8] =	ssyncadd.remote.s32 @!p0 $0x1  }
0xb7: {  	s26 =	simm.s32 $execute0_lowered;
	[smem:$0x3FD2] =	sst s25  }
0xb8: {  	s9 =	sshll.u32 s26, $0x1;
	_ =	strace $0x80000049;
	[dreg:$0x1] =	wrdreg $0xFFFFFFFF  }
0xb9: {  	s28 =	simm.s32 $_size_execute0_lowered;
	s7 =	sadd.s32 s7, s9;
	[dreg:$0x0] =	wrdreg $0x0  }
0xba: {  	s9 =	sshll.u32 s28, $0x1;
	[dreg:$0x2] =	wrdreg s7  }
0xbb: {  	[dreg:$0x3] =	wrdreg s9  }
0xbc: {  	[dreg:$0x4] =	wrdreg $0xC0  }
0xbd: {  	_ =	task [dreg:s22], $0x5FFFF  }
0xbe: {  	[dreg:$0x1] =	wrdreg $0xFFFFFFFF  }
0xbf: {  	[dreg:$0x0] =	wrdreg $0x60  }
0xc0: {  	[dreg:$0x2] =	wrdreg s18  }
0xc1: {  	[dreg:$0x3] =	wrdreg s4  }
0xc2: {  	[dreg:$0x4] =	wrdreg s5  }
0xc3: {  	[dreg:$0x5] =	wrdreg s6  }
0xc4: {  	[dreg:$0x6] =	wrdreg s24  }
0xc5: {  	[dreg:$0x7] =	wrdreg $0xA  }
0xc6: {  	_ =	task.clear_ibuf [dreg:s22], $0x8FFFF;
	_ =	strace $0x90000049  }
0xc7: {  	s29 =	simm.s32 $0xA;
	_ =	strace $0x8000004B  }
0xc8: {  	_ =	swait.ge [sflag:s29], $0x1  }
0xc9: {  	[sflag:s29] =	ssyncadd.s32 $0xFFFFFFFF  }
0xca: {  	_ =	strace $0x9000004B  }
0xcb: {  	_ =	sfence  }
0xcc: {  	s30 =	sld [smem:$0x0];
	_ =	sdelay $0x2  }
0xcd: {  	s31 =	sshll.u32 s1, $0xD;
	s1 =	sshrl.u32 s1, $0x2  }
0xce: {  	s4 =	sand.u32 $0x4000, s31;
	s1 =	sadd.s32 s1, s30  }
0xcf: {  	s0 =	sor.u32 s4, s0;
	s1 =	sshll.u32 s1, $0x11  }
0xd0: {  	s0 =	sor.u32 s1, s0  }
0xd1: {  	s0 =	sadd.s32 $0x8F2B, s0  }
0xd2: {  	[sflag:s0] =	ssyncadd.remote.s32 $0x1  }
0xd3: {  	_ =	sfence.sel $0xFFFF  }
0xd4: {  	[dreg:$0x0] =	wrdreg $0xFFFFFFFF;
	(pc) =	sbr.abs _section_cstart, $3  }
0xd5: {  	[dreg:$0x1] =	wrdreg $0xFFFFFFFF  }
0xd6: {  	_ =	task.clear_ibuf [dreg:s22], $0x2FFFF;
	_ =	strace $0x9FFFFFFF  }
0xd7: {  	(tm) =	ssettm $0x7FFFFFFF  }
tec
execute0_lowered:
.L_overlay_start_1:
0x0: {  	(tag) =	ssettag $0x1  }
0x1: {  	s5 =	rddreg [dreg:$0x0]  }
0x2: {  	s1 =	srdreg.scid;
	s0 =	stileid.u32  }
0x3: {  	s7 =	rddreg [dreg:$0x1];
	s25 =	sand.u32 $0x1, s1;
	s30 =	sshll.u32 s0, $0x1  }
0x4: {  	s2 =	rddreg [dreg:$0x2];
	s18 =	sor.u32 s25, s30  }
0x5: {  	s3 =	rddreg [dreg:$0x3];
	s6 =	smul.u32 $0x180, s18  }
0x6: {  	s15 =	rddreg [dreg:$0x4]  }
0x7: {  	s4 =	simm.s32 $0x0;
	s1 =	rddreg [dreg:$0x5];
	s6 =	sshrl.u32 s6, $0x3  }
0x8: {  	[smem:$0x7FF] =	sst s4;
	s8 =	sadd.s32 $0x200, s6  }
0x9: {  	_ =	strace $0x8000004A;
	s6 =	simm.s32 $0x5;
	s5 =	sadd.s32 s5, s8  }
0xa: {  	[tilespmem:s4], [sflag:$0x5] =	stream.linear.gather [hbm4b:s5+s4], $0x180, $0x38;
	[tilespmem:$0x8300] =	vst v63  }
0xb: {  	_ =	swait.ge [sflag:s6], $0x180  }
0xc: {  	[sflag:s6] =	ssyncset.done $0x0  }
0xd: {  	s7 =	sadd.s32 s7, s8;
	s8 =	simm.s32 $0x180;
	[sflag:s6] =	ssyncadd.s32 $0xFFFFFE80  }
0xe: {  	[tilespmem:s8], [sflag:$0x5] =	stream.linear.gather [hbm4b:s7+s4], $0x180, $0x38;
	[tilespmem:$0x8300] =	vst v63  }
0xf: {  	_ =	swait.ge [sflag:s6], $0x180  }
0x10: {  	[sflag:s6] =	ssyncset.done $0x0  }
0x11: {  	s9 =	simm.s32 $0x80;
	s10 =	simm.s32 $0x300;
	[sflag:s6] =	ssyncadd.s32 $0xFFFFFE80  }
0x12: {  	[tilespmem:s10], [sflag:$0x1] =	stream.indirect.gather [hbm4b:s2+s9], $0x80, s4, s9, $0xb8;
	[tilespmem:$0x8300] =	vst v63  }
0x13: {  	s11 =	simm.s32 $0x4300;
	s12 =	simm.s32 $0x1  }
0x14: {  	[tilespmem:s11], [sflag:$0x2] =	stream.indirect.gather [hbm4b:s3+s9], $0x80, s8, s9, $0xb8;
	[tilespmem:$0x8300] =	vst v63  }
0x15: {  	s16 =	smul.u32 $0x1800, s18;
	_ =	swait.ge [sflag:s12], $0x4000  }
0x16: {  	s23 =	sadd.s32 $0x11A00, s15;
	[sflag:s12] =	ssyncset.done $0x0  }
0x17: {  	s14 =	simm.s32 $0x2;
	s13 =	sadd.s32 s23, s16;
	[sflag:s12] =	ssyncadd.s32 $0xFFFFC000  }
0x18: {  	[hbm4b:s13+s4] =	stream.linear.scatter [tilespmem:s10], [sflag:$0x3], $0x4000, $0x38;
	[tilespmem:$0x8300] =	vst v63  }
0x19: {  	_ =	swait.ge [sflag:s14], $0x4000  }
0x1a: {  	s24 =	sadd.s32 $0x41A00, s15;
	[sflag:s14] =	ssyncset.done $0x0  }
0x1b: {  	s15 =	sadd.s32 s24, s16;
	s16 =	simm.s32 $0x3;
	[sflag:s14] =	ssyncadd.s32 $0xFFFFC000  }
0x1c: {  	[hbm4b:s15+s4] =	stream.linear.scatter [tilespmem:s11], [sflag:$0x4], $0x4000, $0x38;
	[tilespmem:$0x8300] =	vst v63  }
0x1d: {  	_ =	swait.ge [sflag:s16], $0x4000  }
0x1e: {  	[sflag:s16] =	ssyncset.done $0x0  }
0x1f: {  	s17 =	simm.s32 $0x4;
	[sflag:s16] =	ssyncadd.s32 $0xFFFFC000  }
0x20: {  	_ =	swait.ge [sflag:s17], $0x4000  }
0x21: {  	[sflag:s17] =	ssyncset.done $0x0  }
0x22: {  	[sflag:s17] =	ssyncadd.s32 $0xFFFFC000  }
0x23: {  	[tilespmem:s10], [sflag:$0x1] =	stream.indirect.gather [hbm4b:s2+s9], $0x80, s9, s9, $0xb8;
	[tilespmem:$0x8300] =	vst v63  }
0x24: {  	s19 =	smul.u32 $0xC000, s18;
	s18 =	simm.s32 $0x200  }
0x25: {  	[tilespmem:s11], [sflag:$0x2] =	stream.indirect.gather [hbm4b:s3+s9], $0x80, s18, s9, $0xb8;
	[tilespmem:$0x8300] =	vst v63  }
0x26: {  	s26 =	sshrl.u32 s19, $0x3;
	_ =	swait.ge [sflag:s12], $0x4000  }
0x27: {  	s20 =	sadd.s32 $0x800, s26;
	[sflag:s12] =	ssyncset.done $0x0  }
0x28: {  	s19 =	sadd.s32 s23, s20;
	[sflag:s12] =	ssyncadd.s32 $0xFFFFC000  }
0x29: {  	[hbm4b:s19+s4] =	stream.linear.scatter [tilespmem:s10], [sflag:$0x3], $0x4000, $0x38;
	[tilespmem:$0x8300] =	vst v63  }
0x2a: {  	_ =	swait.ge [sflag:s14], $0x4000  }
0x2b: {  	[sflag:s14] =	ssyncset.done $0x0  }
0x2c: {  	s20 =	sadd.s32 s24, s20;
	[sflag:s14] =	ssyncadd.s32 $0xFFFFC000  }
0x2d: {  	[hbm4b:s20+s4] =	stream.linear.scatter [tilespmem:s11], [sflag:$0x4], $0x4000, $0x38;
	[tilespmem:$0x8300] =	vst v63  }
0x2e: {  	_ =	swait.ge [sflag:s16], $0x4000  }
0x2f: {  	[sflag:s16] =	ssyncset.done $0x0  }
0x30: {  	[sflag:s16] =	ssyncadd.s32 $0xFFFFC000  }
0x31: {  	_ =	swait.ge [sflag:s17], $0x4000  }
0x32: {  	[sflag:s17] =	ssyncset.done $0x0  }
0x33: {  	s21 =	simm.s32 $0x100;
	[sflag:s17] =	ssyncadd.s32 $0xFFFFC000  }
0x34: {  	[tilespmem:s10], [sflag:$0x1] =	stream.indirect.gather [hbm4b:s2+s9], $0x80, s21, s9, $0xb8;
	[tilespmem:$0x8300] =	vst v63  }
0x35: {  	s22 =	simm.s32 $0x280  }
0x36: {  	[tilespmem:s11], [sflag:$0x2] =	stream.indirect.gather [hbm4b:s3+s9], $0x80, s22, s9, $0xb8;
	[tilespmem:$0x8300] =	vst v63  }
0x37: {  	_ =	swait.ge [sflag:s12], $0x4000  }
0x38: {  	s25 =	ssub.s32 $0x2, s25;
	s26 =	sadd.s32 $0x1000, s26;
	[sflag:s12] =	ssyncset.done $0x0  }
0x39: {  	s31 =	sshrl.u32 s25, $0x1;
	s23 =	sadd.s32 s23, s26;
	[sflag:s12] =	ssyncadd.s32 $0xFFFFC000  }
0x3a: {  	[hbm4b:s23+s4] =	stream.linear.scatter [tilespmem:s10], [sflag:$0x3], $0x4000, $0x38;
	[tilespmem:$0x8300] =	vst v63  }
0x3b: {  	s25 =	ssub.s32 s25, s31;
	_ =	swait.ge [sflag:s14], $0x4000  }
0x3c: {  	s25 =	smax.u32 s25, $0x1;
	[sflag:s14] =	ssyncset.done $0x0  }
0x3d: {  	p0 =	sne.s32 s25, $0x1;
	s24 =	sadd.s32 s24, s26;
	[sflag:s14] =	ssyncadd.s32 $0xFFFFC000  }
0x3e: {  	[hbm4b:s24+s4] =	stream.linear.scatter [tilespmem:s11], [sflag:$0x4], $0x4000, $0x38;
	[tilespmem:$0x8300] =	vst v63  }
.Ltmp0:
0x3f: {  	_ =	swait.ge [sflag:s16], $0x4000;
	(pc) =	sbr.rel @!p0 .LBB2_2-.Ltmp0, $4  }
0x40: {  	[sflag:s16] =	ssyncset.done $0x0  }
0x41: {  	[sflag:s16] =	ssyncadd.s32 $0xFFFFC000  }
0x42: {  	_ =	swait.ge [sflag:s17], $0x4000  }
0x43: {  	s25 =	sadd.s32 $0xFFFFFFFF, s25;
	[sflag:s17] =	ssyncset.done $0x0  }
.LBB2_1:
0x44: {  	p0 =	sne.s32 s25, $0x1;
	s25 =	sadd.s32 $0xFFFFFFFF, s25;
	[sflag:s17] =	ssyncadd.s32 $0xFFFFC000  }
0x45: {  	[tilespmem:s4], [sflag:$0x5] =	stream.linear.gather [hbm4b:s5+s4], $0x180, $0x38;
	[tilespmem:$0x8300] =	vst v63  }
0x46: {  	_ =	swait.ge [sflag:s6], $0x180  }
0x47: {  	[sflag:s6] =	ssyncset.done $0x0  }
0x48: {  	[sflag:s6] =	ssyncadd.s32 $0xFFFFFE80  }
0x49: {  	[tilespmem:s8], [sflag:$0x5] =	stream.linear.gather [hbm4b:s7+s4], $0x180, $0x38;
	[tilespmem:$0x8300] =	vst v63  }
0x4a: {  	_ =	swait.ge [sflag:s6], $0x180  }
0x4b: {  	[sflag:s6] =	ssyncset.done $0x0  }
0x4c: {  	[sflag:s6] =	ssyncadd.s32 $0xFFFFFE80  }
0x4d: {  	[tilespmem:s10], [sflag:$0x1] =	stream.indirect.gather [hbm4b:s2+s9], $0x80, s4, s9, $0xb8;
	[tilespmem:$0x8300] =	vst v63  }
0x4e: {  	_ = 	snop  }
0x4f: {  	[tilespmem:s11], [sflag:$0x2] =	stream.indirect.gather [hbm4b:s3+s9], $0x80, s8, s9, $0xb8;
	[tilespmem:$0x8300] =	vst v63  }
0x50: {  	_ =	swait.ge [sflag:s12], $0x4000  }
0x51: {  	[sflag:s12] =	ssyncset.done $0x0  }
0x52: {  	[sflag:s12] =	ssyncadd.s32 $0xFFFFC000  }
0x53: {  	[hbm4b:s13+s4] =	stream.linear.scatter [tilespmem:s10], [sflag:$0x3], $0x4000, $0x38;
	[tilespmem:$0x8300] =	vst v63  }
0x54: {  	_ =	swait.ge [sflag:s14], $0x4000  }
0x55: {  	[sflag:s14] =	ssyncset.done $0x0  }
0x56: {  	[sflag:s14] =	ssyncadd.s32 $0xFFFFC000  }
0x57: {  	[hbm4b:s15+s4] =	stream.linear.scatter [tilespmem:s11], [sflag:$0x4], $0x4000, $0x38;
	[tilespmem:$0x8300] =	vst v63  }
0x58: {  	_ =	swait.ge [sflag:s16], $0x4000  }
0x59: {  	[sflag:s16] =	ssyncset.done $0x0  }
0x5a: {  	[sflag:s16] =	ssyncadd.s32 $0xFFFFC000  }
0x5b: {  	_ =	swait.ge [sflag:s17], $0x4000  }
0x5c: {  	[sflag:s17] =	ssyncset.done $0x0  }
0x5d: {  	[sflag:s17] =	ssyncadd.s32 $0xFFFFC000  }
0x5e: {  	[tilespmem:s10], [sflag:$0x1] =	stream.indirect.gather [hbm4b:s2+s9], $0x80, s9, s9, $0xb8;
	[tilespmem:$0x8300] =	vst v63  }
0x5f: {  	_ = 	snop  }
0x60: {  	[tilespmem:s11], [sflag:$0x2] =	stream.indirect.gather [hbm4b:s3+s9], $0x80, s18, s9, $0xb8;
	[tilespmem:$0x8300] =	vst v63  }
0x61: {  	_ =	swait.ge [sflag:s12], $0x4000  }
0x62: {  	[sflag:s12] =	ssyncset.done $0x0  }
0x63: {  	[sflag:s12] =	ssyncadd.s32 $0xFFFFC000  }
0x64: {  	[hbm4b:s19+s4] =	stream.linear.scatter [tilespmem:s10], [sflag:$0x3], $0x4000, $0x38;
	[tilespmem:$0x8300] =	vst v63  }
0x65: {  	_ =	swait.ge [sflag:s14], $0x4000  }
0x66: {  	[sflag:s14] =	ssyncset.done $0x0  }
0x67: {  	[sflag:s14] =	ssyncadd.s32 $0xFFFFC000  }
0x68: {  	[hbm4b:s20+s4] =	stream.linear.scatter [tilespmem:s11], [sflag:$0x4], $0x4000, $0x38;
	[tilespmem:$0x8300] =	vst v63  }
0x69: {  	_ =	swait.ge [sflag:s16], $0x4000  }
0x6a: {  	[sflag:s16] =	ssyncset.done $0x0  }
0x6b: {  	[sflag:s16] =	ssyncadd.s32 $0xFFFFC000  }
0x6c: {  	_ =	swait.ge [sflag:s17], $0x4000  }
0x6d: {  	[sflag:s17] =	ssyncset.done $0x0  }
0x6e: {  	[sflag:s17] =	ssyncadd.s32 $0xFFFFC000  }
0x6f: {  	[tilespmem:s10], [sflag:$0x1] =	stream.indirect.gather [hbm4b:s2+s9], $0x80, s21, s9, $0xb8;
	[tilespmem:$0x8300] =	vst v63  }
0x70: {  	_ = 	snop  }
0x71: {  	[tilespmem:s11], [sflag:$0x2] =	stream.indirect.gather [hbm4b:s3+s9], $0x80, s22, s9, $0xb8;
	[tilespmem:$0x8300] =	vst v63  }
0x72: {  	_ =	swait.ge [sflag:s12], $0x4000  }
0x73: {  	[sflag:s12] =	ssyncset.done $0x0  }
0x74: {  	[sflag:s12] =	ssyncadd.s32 $0xFFFFC000  }
0x75: {  	[hbm4b:s23+s4] =	stream.linear.scatter [tilespmem:s10], [sflag:$0x3], $0x4000, $0x38;
	[tilespmem:$0x8300] =	vst v63  }
0x76: {  	_ =	swait.ge [sflag:s14], $0x4000  }
0x77: {  	[sflag:s14] =	ssyncset.done $0x0  }
0x78: {  	[sflag:s14] =	ssyncadd.s32 $0xFFFFC000  }
0x79: {  	[hbm4b:s24+s4] =	stream.linear.scatter [tilespmem:s11], [sflag:$0x4], $0x4000, $0x38;
	[tilespmem:$0x8300] =	vst v63  }
.Ltmp1:
0x7a: {  	_ =	swait.ge [sflag:s16], $0x4000;
	(pc) =	sbr.rel @p0 .LBB2_1-.Ltmp1, $4  }
0x7b: {  	[sflag:s16] =	ssyncset.done $0x0  }
0x7c: {  	[sflag:s16] =	ssyncadd.s32 $0xFFFFC000  }
0x7d: {  	_ =	swait.ge [sflag:s17], $0x4000  }
0x7e: {  	[sflag:s17] =	ssyncset.done $0x0  }
.LBB2_2:
0x7f: {  	[sflag:s17] =	ssyncadd.s32 $0xFFFFC000  }
0x80: {  	_ =	sfence.sel $0x180000  }
0x81: {  	[bflag:$0x0] =	sbarrier.arrive $0xFFFF  }
0x82: {  	p0 =	sne.s32 s0, $0x0;
	_ =	strace $0x9000004A  }
0x83: {  	s0 =	sadd.s32 @!p0 $0x100000, s1;
	[bflag:$0x2] =	sbarrier.arrive $0xFFFF  }
0x84: {  	[sflag:s0] =	ssyncadd.tile.s32 @!p0 $0x1;
	_ =	shalt  }
.Lfunc_end2:
_tile_overlayer_lowered:
.L_overlay_start_2:
0x85: {  	(tag) =	ssettag $0x2  }
0x86: {  	s0 =	rddreg [dreg:$0x0];
	s2 =	stileid.u32  }
0x87: {  	s1 =	rddreg [dreg:$0x1];
	p0 =	sne.s32 s2, $0x0  }
0x88: {  	s3 =	rddreg [dreg:$0x2];
	[bflag:$0x3] =	sbarrier.arrive $0xFFFF;
	s2 =	simm.s32 @!p0 $0x1C05  }
0x89: {  	[timem:s3], [sflag:s2] =	dma.local @!p0 [hbm:s0], s1  }
0x8a: {  	s0 =	simm.s32 @!p0 $0x5  }
0x8b: {  	_ =	swait.ge @!p0 [sflag:s0], s1  }
0x8c: {  	s1 =	ssub.s32 @!p0 $0x0, s1;
	[sflag:s0] =	ssyncset.done @!p0 $0x0  }
0x8d: {  	[sflag:s0] =	ssyncadd.s32 @!p0 s1  }
0x8e: {  	[bflag:$0x3] =	sbarrier.arrive $0xFFFF  }
0x8f: {  	_ =	shalt  }

</sc_bundles>
